<compile_context>
chip_gen: v7x
topology: tpu7x:2x2x1
jax: 0.10.2.dev20260603
libtpu: 0.0.44.dev20260713+nightly
codegen_flags: <defaults>
</compile_context>

<pallas_src>
import functools

import jax
import jax.numpy as jnp
from jax import lax
from jax.experimental import pallas as pl
from jax.experimental.pallas import tpu as pltpu
from jax.experimental.pallas import tpu_sc as plsc

N = 10000
E = 320000
NUM_GRAPHS = 64
D_IN = 128
H = 32

NC = 2
NS = 16
NW = NC * NS
CHUNK = 128
NCHUNK = 79
EP = NCHUNK * CHUNK
E_PAD = NW * EP
PAD_E = E_PAD - E
NPAD = 10240
RPT = NPAD // NS
DEGW = 8

_mesh = plsc.VectorSubcoreMesh(core_axis_name="c", subcore_axis_name="s")
_sc_params = pltpu.CompilerParams(use_tc_tiling_on_sc=False)


@functools.partial(
    pl.kernel,
    mesh=_mesh,
    compiler_params=_sc_params,
    out_type=jax.ShapeDtypeStruct((NC * NPAD, DEGW), jnp.float32),
    scratch_types=[
        pltpu.VMEM((CHUNK,), jnp.int32),
        pltpu.VMEM((CHUNK, DEGW), jnp.float32),
        pltpu.VMEM_SHARED((NPAD, DEGW), jnp.float32),
    ],
)
def _deg_kernel(dst_hbm, ones_hbm, zeros_hbm, out_hbm, dst_v, ones_v, acc_sh):
    c = lax.axis_index("c")
    s = lax.axis_index("s")
    wid = c * NS + s
    r0 = s * RPT
    pltpu.sync_copy(ones_hbm, ones_v)
    pltpu.sync_copy(zeros_hbm.at[pl.ds(r0, RPT)], acc_sh.at[pl.ds(r0, RPT)])
    plsc.subcore_barrier()

    def body(j, carry):
        base = wid * EP + j * CHUNK
        pltpu.sync_copy(dst_hbm.at[pl.ds(base, CHUNK)], dst_v)
        pltpu.sync_copy(ones_v, acc_sh.at[dst_v], add=True)
        return carry

    lax.fori_loop(0, NCHUNK, body, 0)
    plsc.subcore_barrier()
    pltpu.sync_copy(acc_sh.at[pl.ds(r0, RPT)],
                    out_hbm.at[pl.ds(c * NPAD + r0, RPT)])


@functools.partial(
    pl.kernel,
    mesh=_mesh,
    compiler_params=_sc_params,
    out_type=jax.ShapeDtypeStruct((NC * NPAD, H), jnp.float32),
    scratch_types=[
        pltpu.VMEM((CHUNK,), jnp.int32),
        pltpu.VMEM((CHUNK,), jnp.int32),
        pltpu.VMEM((CHUNK, H), jnp.float32),
        pltpu.VMEM_SHARED((NPAD, H), jnp.float32),
    ],
)
def _edge_sum_kernel(hs_hbm, src_hbm, dst_hbm, zeros_hbm, out_hbm,
                     src_v, dst_v, rows_v, acc_sh):
    c = lax.axis_index("c")
    s = lax.axis_index("s")
    wid = c * NS + s
    r0 = s * RPT
    pltpu.sync_copy(zeros_hbm.at[pl.ds(r0, RPT)], acc_sh.at[pl.ds(r0, RPT)])
    plsc.subcore_barrier()

    def body(j, carry):
        base = wid * EP + j * CHUNK
        pltpu.sync_copy(src_hbm.at[pl.ds(base, CHUNK)], src_v)
        pltpu.sync_copy(dst_hbm.at[pl.ds(base, CHUNK)], dst_v)
        pltpu.sync_copy(hs_hbm.at[src_v], rows_v)
        pltpu.sync_copy(rows_v, acc_sh.at[dst_v], add=True)
        return carry

    lax.fori_loop(0, NCHUNK, body, 0)
    plsc.subcore_barrier()
    pltpu.sync_copy(acc_sh.at[pl.ds(r0, RPT)],
                    out_hbm.at[pl.ds(c * NPAD + r0, RPT)])


def _row_iota():
    return lax.broadcasted_iota(jnp.int32, (NPAD, 1), 0)


def _stage1_body(x_ref, w1_ref, degs_ref, hs1_ref, dinv_ref):
    deg = degs_ref[0:NPAD, 0:1] + degs_ref[NPAD:2 * NPAD, 0:1] + 1.0
    dinv = 1.0 / jnp.sqrt(deg)
    h = jnp.dot(x_ref[...], w1_ref[...], preferred_element_type=jnp.float32)
    hs1_ref[...] = h * dinv
    dinv_ref[...] = dinv


def _mmbf(a, w):
    return jnp.dot(a, w, preferred_element_type=jnp.float32)


def _mid_body(sp_ref, hs_ref, dinv_ref, b_ref, g_ref, bt_ref, w_ref, out_ref):
    dinv = dinv_ref[...]
    pre = (sp_ref[0:NPAD, :] + sp_ref[NPAD:2 * NPAD, :] + hs_ref[...]) * dinv \
        + b_ref[...]
    mask = _row_iota() < N
    zm = jnp.where(mask, pre, 0.0)
    mu = jnp.sum(zm, axis=0, keepdims=True) / N
    var = jnp.sum(jnp.where(mask, (pre - mu) ** 2, 0.0), axis=0,
                  keepdims=True) / N
    y = (pre - mu) / jnp.sqrt(var + 1e-5) * g_ref[...] + bt_ref[...]
    y = jnp.where(mask, jnp.maximum(y, 0.0), 0.0)
    out_ref[...] = _mmbf(y, w_ref[...]) * dinv


def _bn64(t, g, b):
    mu = jnp.mean(t, axis=0, keepdims=True)
    var = jnp.mean((t - mu) ** 2, axis=0, keepdims=True)
    return (t - mu) / jnp.sqrt(var + 1e-5) * g + b


def _final_body(sp_ref, hs_ref, dinv_ref, b3_ref, batch_ref,
                m1_ref, mb1_ref, mg1_ref, mbt1_ref,
                m2_ref, mb2_ref, mg2_ref, mbt2_ref,
                m3_ref, mb3_ref, out_ref):
    z = (sp_ref[0:NPAD, :] + sp_ref[NPAD:2 * NPAD, :] + hs_ref[...]) \
        * dinv_ref[...] + b3_ref[...]
    z = jnp.where(_row_iota() < N, z, 0.0)
    gid = lax.broadcasted_iota(jnp.int32, (NUM_GRAPHS, NPAD), 0)
    onehot = (batch_ref[...] == gid).astype(jnp.float32)
    zg = jnp.dot(onehot, z, preferred_element_type=jnp.float32,
                 precision="highest")
    m = _mmbf(zg, m1_ref[...]) + mb1_ref[...]
    m = jnp.maximum(_bn64(m, mg1_ref[...], mbt1_ref[...]), 0.0)
    m = _mmbf(m, m2_ref[...]) + mb2_ref[...]
    m = jnp.maximum(_bn64(m, mg2_ref[...], mbt2_ref[...]), 0.0)
    out_ref[...] = _mmbf(m, m3_ref[...]) + mb3_ref[...]


def _tc(body, out_shape, *args):
    return pl.pallas_call(
        body, out_shape=out_shape)(*args)


def kernel(x, edge_index, batch, W1, b1, g1, bt1, W2, b2, g2, bt2, W3, b3,
           M1, mb1, mg1, mbt1, M2, mb2, mg2, mbt2, M3, mb3):
    f32 = jnp.float32
    pad_idx = jnp.full((PAD_E,), N, jnp.int32)
    src_p = jnp.concatenate([edge_index[0], pad_idx])
    dst_p = jnp.concatenate([edge_index[1], pad_idx])
    x_p = jnp.pad(x, ((0, NPAD - N), (0, 0)))
    batch_p = jnp.pad(batch, (0, NPAD - N)).reshape(1, NPAD)
    zeros_h = jnp.zeros((NPAD, H), f32)
    zeros_d = jnp.zeros((NPAD, DEGW), f32)
    ones_d = jnp.ones((CHUNK, DEGW), f32)

    degp = _deg_kernel(dst_p, ones_d, zeros_d)

    hs1, dinv = _tc(_stage1_body,
                    (jax.ShapeDtypeStruct((NPAD, H), f32),
                     jax.ShapeDtypeStruct((NPAD, 1), f32)),
                    x_p, W1, degp)

    s1 = _edge_sum_kernel(hs1, src_p, dst_p, zeros_h)
    hs2 = _tc(_mid_body, jax.ShapeDtypeStruct((NPAD, H), f32),
              s1, hs1, dinv, b1.reshape(1, H), g1.reshape(1, H),
              bt1.reshape(1, H), W2)

    s2 = _edge_sum_kernel(hs2, src_p, dst_p, zeros_h)
    hs3 = _tc(_mid_body, jax.ShapeDtypeStruct((NPAD, H), f32),
              s2, hs2, dinv, b2.reshape(1, H), g2.reshape(1, H),
              bt2.reshape(1, H), W3)

    s3 = _edge_sum_kernel(hs3, src_p, dst_p, zeros_h)
    out = _tc(_final_body, jax.ShapeDtypeStruct((NUM_GRAPHS, 1), f32),
              s3, hs3, dinv, b3.reshape(1, H), batch_p,
              M1, mb1.reshape(1, H), mg1.reshape(1, H), mbt1.reshape(1, H),
              M2, mb2.reshape(1, H), mg2.reshape(1, H), mbt2.reshape(1, H),
              M3, mb3.reshape(1, 1))
    return out

# --- scband reference (transcript-rebuilt; emitter-appended) ---
"""Pipeline reference for scband-homogeneous-gcn-79474074845350 (READ-ONLY COPY).

The authoritative reference and input builder live on the scoring server;
editing this copy changes nothing except your own understanding.
"""

import jax, jax.numpy as jnp
import numpy as np

N = 10000
E = 320000
NUM_GRAPHS = 64
D_IN = 128
H = 32
D_OUT = 1

def batch_norm(x, g, b):
    mu = jnp.mean(x, axis=0)
    var = jnp.var(x, axis=0)
    return (x - mu) / jnp.sqrt(var + 1e-5) * g + b

def gcn_conv(x, edge_index, W, b):
    loop = jnp.arange(N)
    src = jnp.concatenate([edge_index[0], loop])
    dst = jnp.concatenate([edge_index[1], loop])
    deg = jnp.zeros((N,), x.dtype).at[dst].add(1.0)
    dinv = jnp.where(deg > 0, 1.0 / jnp.sqrt(deg), 0.0)
    norm = dinv[src] * dinv[dst]
    h = x @ W
    msg = h[src] * norm[:, None]
    return jax.ops.segment_sum(msg, dst, num_segments=N) + b

def setup_inputs(seed: int = 0):
    key = jax.random.key(seed)
    ks = jax.random.split(key, 16)
    inp = {}
    inp['x'] = jax.random.normal(ks[0], (N, D_IN), dtype=jnp.float32)
    inp['edge_index'] = jax.random.randint(ks[1], (2, E), 0, N, dtype=jnp.int32)
    inp['batch'] = jnp.sort(jax.random.randint(ks[2], (N,), 0, NUM_GRAPHS, dtype=jnp.int32))
    def lin(k, fan_in, fan_out):
        lim = 1.0 / np.sqrt(fan_in)
        return jax.random.uniform(k, (fan_in, fan_out), jnp.float32, -lim, lim)
    inp['W1'] = lin(ks[3], D_IN, H); inp['b1'] = jnp.zeros((H,), jnp.float32)
    inp['g1'] = jnp.ones((H,), jnp.float32); inp['bt1'] = jnp.zeros((H,), jnp.float32)
    inp['W2'] = lin(ks[4], H, H); inp['b2'] = jnp.zeros((H,), jnp.float32)
    inp['g2'] = jnp.ones((H,), jnp.float32); inp['bt2'] = jnp.zeros((H,), jnp.float32)
    inp['W3'] = lin(ks[5], H, H); inp['b3'] = jnp.zeros((H,), jnp.float32)
    inp['M1'] = lin(ks[6], H, H); inp['mb1'] = jnp.zeros((H,), jnp.float32)
    inp['mg1'] = jnp.ones((H,), jnp.float32); inp['mbt1'] = jnp.zeros((H,), jnp.float32)
    inp['M2'] = lin(ks[7], H, H); inp['mb2'] = jnp.zeros((H,), jnp.float32)
    inp['mg2'] = jnp.ones((H,), jnp.float32); inp['mbt2'] = jnp.zeros((H,), jnp.float32)
    inp['M3'] = lin(ks[8], H, D_OUT); inp['mb3'] = jnp.zeros((D_OUT,), jnp.float32)
    return inp

def reference(x, edge_index, batch, W1, b1, g1, bt1, W2, b2, g2, bt2, W3, b3, M1, mb1, mg1, mbt1, M2, mb2, mg2, mbt2, M3, mb3):
    h = jax.nn.relu(batch_norm(gcn_conv(x, edge_index, W1, b1), g1, bt1))
    h = jax.nn.relu(batch_norm(gcn_conv(h, edge_index, W2, b2), g2, bt2))
    z = gcn_conv(h, edge_index, W3, b3)
    zg = jax.ops.segment_sum(z, batch, num_segments=NUM_GRAPHS)
    m = jax.nn.relu(batch_norm(zg @ M1 + mb1, mg1, mbt1))
    m = jax.nn.relu(batch_norm(m @ M2 + mb2, mg2, mbt2))
    return m @ M3 + mb3

if __name__ == "__main__":
    import jax
    _d = setup_inputs()
    print(jax.jit(kernel)(*tuple(_d.values())))

</pallas_src>

<mosaic_0001>
#map = affine_map<(d0, d1) -> (0, 0)>
#map1 = affine_map<(d0, d1) -> (0)>
module attributes {stable_mosaic.version = 14 : i64} {
  func.func @_edge_sum_kernel(%arg0: i32, %arg1: i32, %arg2: memref<10240x32xf32, #tpu.memory_space<hbm>>, %arg3: memref<323584xi32, #tpu.memory_space<hbm>>, %arg4: memref<323584xi32, #tpu.memory_space<hbm>>, %arg5: memref<10240x32xf32, #tpu.memory_space<hbm>>, %arg6: memref<20480x32xf32, #tpu.memory_space<hbm>>, %arg7: memref<128xi32, #tpu.memory_space<vmem>>, %arg8: memref<128xi32, #tpu.memory_space<vmem>>, %arg9: memref<128x32xf32, #tpu.memory_space<vmem>>, %arg10: memref<10240x32xf32, #tpu.memory_space<vmem_shared>>) attributes {dimension_semantics = [#tpu.dimension_semantics<core_parallel>, #tpu.dimension_semantics<subcore_parallel>], iteration_bounds = array<i64: 2, 16>, scalar_prefetch = 0 : i64, scratch_operands = 4 : i64, tpu.core_type = #tpu.core_type<sc_vector_subcore>, window_params = [{transform_indices = #map}, {transform_indices = #map1}, {transform_indices = #map1}, {transform_indices = #map}, {transform_indices = #map}]} {
    %mul3A = arith.constant 16 : i32
    %mul3A_0 = arith.muli %arg0, %mul3A : i32
    %add3A = arith.addi %mul3A_0, %arg1 : i32
    %mul3A_1 = arith.constant 640 : i32
    %mul3A_2 = arith.muli %arg1, %mul3A_1 : i32
    "tpu.region"() ({
      %run_scoped3A = tpu.sem_alloc : memref<!tpu.dma_semaphore, #tpu.memory_space<semaphore_mem>>
      %dma_start3A = arith.constant 0 : i32
      %dma_start3A_12 = tpu.memref_slice %arg10[%mul3A_2, %dma_start3A] : memref<10240x32xf32, #tpu.memory_space<vmem_shared>> -> memref<640x32xf32, #tpu.memory_space<vmem_shared>>
      %dma_start3A_13 = arith.constant 0 : i32
      %dma_start3A_14 = tpu.memref_slice %arg5[%mul3A_2, %dma_start3A_13] : memref<10240x32xf32, #tpu.memory_space<hbm>> -> memref<640x32xf32, #tpu.memory_space<hbm>>
      tpu.enqueue_dma source(%dma_start3A_14 : memref<640x32xf32, #tpu.memory_space<hbm>>) target(%dma_start3A_12 : memref<640x32xf32, #tpu.memory_space<vmem_shared>>) target_semaphore(%run_scoped3A : memref<!tpu.dma_semaphore, #tpu.memory_space<semaphore_mem>>)
      %dma_wait3A = arith.constant 0 : i32
      %dma_wait3A_15 = tpu.memref_slice %arg10[%mul3A_2, %dma_wait3A] : memref<10240x32xf32, #tpu.memory_space<vmem_shared>> -> memref<640x32xf32, #tpu.memory_space<vmem_shared>>
      %dma_wait3A_16 = arith.constant 0 : i32
      %dma_wait3A_17 = tpu.memref_slice %arg5[%mul3A_2, %dma_wait3A_16] : memref<10240x32xf32, #tpu.memory_space<hbm>> -> memref<640x32xf32, #tpu.memory_space<hbm>>
      tpu.wait_dma2 semaphore(%run_scoped3A : memref<!tpu.dma_semaphore, #tpu.memory_space<semaphore_mem>>) src(%dma_wait3A_17 : memref<640x32xf32, #tpu.memory_space<hbm>>) dst(%dma_wait3A_15 : memref<640x32xf32, #tpu.memory_space<vmem_shared>>)
      tpu.yield
    }) : () -> ()
    %barrier3A = arith.constant 0 : index
    tpu.barrier barrier_id(%barrier3A)
    %scan3A = arith.constant 0 : i32
    %scan3A_3 = arith.constant 0 : i32
    %scan3A_4 = arith.constant 79 : i32
    %scan3A_5 = arith.addi %scan3A_3, %scan3A_4 : i32
    %scan3A_6 = arith.constant 1 : i32
    scf.for %scan3A_12 = %scan3A_3 to %scan3A_5 step %scan3A_6  : i32 {
      %mul3A_13 = arith.constant 10112 : i32
      %mul3A_14 = arith.muli %add3A, %mul3A_13 : i32
      %mul3A_15 = arith.constant 128 : i32
      %mul3A_16 = arith.muli %scan3A_12, %mul3A_15 : i32
      %add3A_17 = arith.addi %mul3A_14, %mul3A_16 : i32
      "tpu.region"() ({
        %run_scoped3A = tpu.sem_alloc : memref<!tpu.dma_semaphore, #tpu.memory_space<semaphore_mem>>
        %dma_start3A = tpu.memref_slice %arg3[%add3A_17] : memref<323584xi32, #tpu.memory_space<hbm>> -> memref<128xi32, #tpu.memory_space<hbm>>
        %dma_start3A_18 = tpu.memref_slice %arg3[%add3A_17] : memref<323584xi32, #tpu.memory_space<hbm>> -> memref<128xi32, #tpu.memory_space<hbm>>
        tpu.enqueue_dma source(%dma_start3A_18 : memref<128xi32, #tpu.memory_space<hbm>>) target(%arg7 : memref<128xi32, #tpu.memory_space<vmem>>) target_semaphore(%run_scoped3A : memref<!tpu.dma_semaphore, #tpu.memory_space<semaphore_mem>>)
        %dma_wait3A = tpu.memref_slice %arg3[%add3A_17] : memref<323584xi32, #tpu.memory_space<hbm>> -> memref<128xi32, #tpu.memory_space<hbm>>
        %dma_wait3A_19 = tpu.memref_slice %arg3[%add3A_17] : memref<323584xi32, #tpu.memory_space<hbm>> -> memref<128xi32, #tpu.memory_space<hbm>>
        tpu.wait_dma2 semaphore(%run_scoped3A : memref<!tpu.dma_semaphore, #tpu.memory_space<semaphore_mem>>) src(%dma_wait3A_19 : memref<128xi32, #tpu.memory_space<hbm>>) dst(%arg7 : memref<128xi32, #tpu.memory_space<vmem>>)
        tpu.yield
      }) : () -> ()
      "tpu.region"() ({
        %run_scoped3A = tpu.sem_alloc : memref<!tpu.dma_semaphore, #tpu.memory_space<semaphore_mem>>
        %dma_start3A = tpu.memref_slice %arg4[%add3A_17] : memref<323584xi32, #tpu.memory_space<hbm>> -> memref<128xi32, #tpu.memory_space<hbm>>
        %dma_start3A_18 = tpu.memref_slice %arg4[%add3A_17] : memref<323584xi32, #tpu.memory_space<hbm>> -> memref<128xi32, #tpu.memory_space<hbm>>
        tpu.enqueue_dma source(%dma_start3A_18 : memref<128xi32, #tpu.memory_space<hbm>>) target(%arg8 : memref<128xi32, #tpu.memory_space<vmem>>) target_semaphore(%run_scoped3A : memref<!tpu.dma_semaphore, #tpu.memory_space<semaphore_mem>>)
        %dma_wait3A = tpu.memref_slice %arg4[%add3A_17] : memref<323584xi32, #tpu.memory_space<hbm>> -> memref<128xi32, #tpu.memory_space<hbm>>
        %dma_wait3A_19 = tpu.memref_slice %arg4[%add3A_17] : memref<323584xi32, #tpu.memory_space<hbm>> -> memref<128xi32, #tpu.memory_space<hbm>>
        tpu.wait_dma2 semaphore(%run_scoped3A : memref<!tpu.dma_semaphore, #tpu.memory_space<semaphore_mem>>) src(%dma_wait3A_19 : memref<128xi32, #tpu.memory_space<hbm>>) dst(%arg8 : memref<128xi32, #tpu.memory_space<vmem>>)
        tpu.yield
      }) : () -> ()
      "tpu.region"() ({
        %run_scoped3A = tpu.sem_alloc : memref<!tpu.dma_semaphore, #tpu.memory_space<semaphore_mem>>
        %dma_start3A = arith.constant 0 : i32
        %dma_start3A_18 = arith.constant 0 : i32
        %dma_start3A_19 = tpu.memref_slice %arg2[%dma_start3A, %dma_start3A_18] : memref<10240x32xf32, #tpu.memory_space<hbm>> -> memref<10240x32xf32, #tpu.memory_space<hbm>>
        tpu.enqueue_indirect_dma source(%dma_start3A_19 : memref<10240x32xf32, #tpu.memory_space<hbm>>) target(%arg9 : memref<128x32xf32, #tpu.memory_space<vmem>>) offsets(%arg7 : memref<128xi32, #tpu.memory_space<vmem>>) semaphore(%run_scoped3A : memref<!tpu.dma_semaphore, #tpu.memory_space<semaphore_mem>>)
        %dma_wait3A = arith.constant 0 : i32
        %dma_wait3A_20 = arith.constant 0 : i32
        %dma_wait3A_21 = tpu.memref_slice %arg2[%dma_wait3A, %dma_wait3A_20] : memref<10240x32xf32, #tpu.memory_space<hbm>> -> memref<10240x32xf32, #tpu.memory_space<hbm>>
        tpu.wait_indirect_dma semaphore(%run_scoped3A : memref<!tpu.dma_semaphore, #tpu.memory_space<semaphore_mem>>) src(%dma_wait3A_21 : memref<10240x32xf32, #tpu.memory_space<hbm>>) dst(%arg9 : memref<128x32xf32, #tpu.memory_space<vmem>>)
        tpu.yield
      }) : () -> ()
      "tpu.region"() ({
        %run_scoped3A = tpu.sem_alloc : memref<!tpu.dma_semaphore, #tpu.memory_space<semaphore_mem>>
        %dma_start3A = arith.constant 0 : i32
        %dma_start3A_18 = arith.constant 0 : i32
        %dma_start3A_19 = tpu.memref_slice %arg10[%dma_start3A, %dma_start3A_18] : memref<10240x32xf32, #tpu.memory_space<vmem_shared>> -> memref<10240x32xf32, #tpu.memory_space<vmem_shared>>
        tpu.enqueue_indirect_dma source(%arg9 : memref<128x32xf32, #tpu.memory_space<vmem>>) target(%dma_start3A_19 : memref<10240x32xf32, #tpu.memory_space<vmem_shared>>) offsets(%arg8 : memref<128xi32, #tpu.memory_space<vmem>>) semaphore(%run_scoped3A : memref<!tpu.dma_semaphore, #tpu.memory_space<semaphore_mem>>) {add = true}
        %dma_wait3A = arith.constant 0 : i32
        %dma_wait3A_20 = arith.constant 0 : i32
        %dma_wait3A_21 = tpu.memref_slice %arg10[%dma_wait3A, %dma_wait3A_20] : memref<10240x32xf32, #tpu.memory_space<vmem_shared>> -> memref<10240x32xf32, #tpu.memory_space<vmem_shared>>
        tpu.wait_indirect_dma semaphore(%run_scoped3A : memref<!tpu.dma_semaphore, #tpu.memory_space<semaphore_mem>>) src(%arg9 : memref<128x32xf32, #tpu.memory_space<vmem>>) dst(%dma_wait3A_21 : memref<10240x32xf32, #tpu.memory_space<vmem_shared>>)
        tpu.yield
      }) : () -> ()
    }
    %scan3A_7 = arith.constant 79 : i32
    %barrier3A_8 = arith.constant 0 : index
    tpu.barrier barrier_id(%barrier3A_8)
    %mul3A_9 = arith.constant 10240 : i32
    %mul3A_10 = arith.muli %arg0, %mul3A_9 : i32
    %add3A_11 = arith.addi %mul3A_10, %mul3A_2 : i32
    "tpu.region"() ({
      %run_scoped3A = tpu.sem_alloc : memref<!tpu.dma_semaphore, #tpu.memory_space<semaphore_mem>>
      %dma_start3A = arith.constant 0 : i32
      %dma_start3A_12 = tpu.memref_slice %arg6[%add3A_11, %dma_start3A] : memref<20480x32xf32, #tpu.memory_space<hbm>> -> memref<640x32xf32, #tpu.memory_space<hbm>>
      %dma_start3A_13 = arith.constant 0 : i32
      %dma_start3A_14 = tpu.memref_slice %arg10[%mul3A_2, %dma_start3A_13] : memref<10240x32xf32, #tpu.memory_space<vmem_shared>> -> memref<640x32xf32, #tpu.memory_space<vmem_shared>>
      tpu.enqueue_dma source(%dma_start3A_14 : memref<640x32xf32, #tpu.memory_space<vmem_shared>>) target(%dma_start3A_12 : memref<640x32xf32, #tpu.memory_space<hbm>>) target_semaphore(%run_scoped3A : memref<!tpu.dma_semaphore, #tpu.memory_space<semaphore_mem>>)
      %dma_wait3A = arith.constant 0 : i32
      %dma_wait3A_15 = tpu.memref_slice %arg6[%add3A_11, %dma_wait3A] : memref<20480x32xf32, #tpu.memory_space<hbm>> -> memref<640x32xf32, #tpu.memory_space<hbm>>
      %dma_wait3A_16 = arith.constant 0 : i32
      %dma_wait3A_17 = tpu.memref_slice %arg10[%mul3A_2, %dma_wait3A_16] : memref<10240x32xf32, #tpu.memory_space<vmem_shared>> -> memref<640x32xf32, #tpu.memory_space<vmem_shared>>
      tpu.wait_dma2 semaphore(%run_scoped3A : memref<!tpu.dma_semaphore, #tpu.memory_space<semaphore_mem>>) src(%dma_wait3A_17 : memref<640x32xf32, #tpu.memory_space<vmem_shared>>) dst(%dma_wait3A_15 : memref<640x32xf32, #tpu.memory_space<hbm>>)
      tpu.yield
    }) : () -> ()
    return
  }
}

#map = affine_map<(d0, d1) -> (0)>
#map1 = affine_map<(d0, d1) -> (0, 0)>
module attributes {stable_mosaic.version = 14 : i64} {
  func.func @_deg_kernel(%arg0: i32, %arg1: i32, %arg2: memref<323584xi32, #tpu.memory_space<hbm>>, %arg3: memref<128x8xf32, #tpu.memory_space<hbm>>, %arg4: memref<10240x8xf32, #tpu.memory_space<hbm>>, %arg5: memref<20480x8xf32, #tpu.memory_space<hbm>>, %arg6: memref<128xi32, #tpu.memory_space<vmem>>, %arg7: memref<128x8xf32, #tpu.memory_space<vmem>>, %arg8: memref<10240x8xf32, #tpu.memory_space<vmem_shared>>) attributes {dimension_semantics = [#tpu.dimension_semantics<core_parallel>, #tpu.dimension_semantics<subcore_parallel>], iteration_bounds = array<i64: 2, 16>, scalar_prefetch = 0 : i64, scratch_operands = 3 : i64, tpu.core_type = #tpu.core_type<sc_vector_subcore>, window_params = [{transform_indices = #map}, {transform_indices = #map1}, {transform_indices = #map1}, {transform_indices = #map1}]} {
    %mul3A = arith.constant 16 : i32
    %mul3A_0 = arith.muli %arg0, %mul3A : i32
    %add3A = arith.addi %mul3A_0, %arg1 : i32
    %mul3A_1 = arith.constant 640 : i32
    %mul3A_2 = arith.muli %arg1, %mul3A_1 : i32
    "tpu.region"() ({
      %run_scoped3A = tpu.sem_alloc : memref<!tpu.dma_semaphore, #tpu.memory_space<semaphore_mem>>
      tpu.enqueue_dma source(%arg3 : memref<128x8xf32, #tpu.memory_space<hbm>>) target(%arg7 : memref<128x8xf32, #tpu.memory_space<vmem>>) target_semaphore(%run_scoped3A : memref<!tpu.dma_semaphore, #tpu.memory_space<semaphore_mem>>)
      tpu.wait_dma2 semaphore(%run_scoped3A : memref<!tpu.dma_semaphore, #tpu.memory_space<semaphore_mem>>) src(%arg3 : memref<128x8xf32, #tpu.memory_space<hbm>>) dst(%arg7 : memref<128x8xf32, #tpu.memory_space<vmem>>)
      tpu.yield
    }) : () -> ()
    "tpu.region"() ({
      %run_scoped3A = tpu.sem_alloc : memref<!tpu.dma_semaphore, #tpu.memory_space<semaphore_mem>>
      %dma_start3A = arith.constant 0 : i32
      %dma_start3A_12 = tpu.memref_slice %arg8[%mul3A_2, %dma_start3A] : memref<10240x8xf32, #tpu.memory_space<vmem_shared>> -> memref<640x8xf32, #tpu.memory_space<vmem_shared>>
      %dma_start3A_13 = arith.constant 0 : i32
      %dma_start3A_14 = tpu.memref_slice %arg4[%mul3A_2, %dma_start3A_13] : memref<10240x8xf32, #tpu.memory_space<hbm>> -> memref<640x8xf32, #tpu.memory_space<hbm>>
      tpu.enqueue_dma source(%dma_start3A_14 : memref<640x8xf32, #tpu.memory_space<hbm>>) target(%dma_start3A_12 : memref<640x8xf32, #tpu.memory_space<vmem_shared>>) target_semaphore(%run_scoped3A : memref<!tpu.dma_semaphore, #tpu.memory_space<semaphore_mem>>)
      %dma_wait3A = arith.constant 0 : i32
      %dma_wait3A_15 = tpu.memref_slice %arg8[%mul3A_2, %dma_wait3A] : memref<10240x8xf32, #tpu.memory_space<vmem_shared>> -> memref<640x8xf32, #tpu.memory_space<vmem_shared>>
      %dma_wait3A_16 = arith.constant 0 : i32
      %dma_wait3A_17 = tpu.memref_slice %arg4[%mul3A_2, %dma_wait3A_16] : memref<10240x8xf32, #tpu.memory_space<hbm>> -> memref<640x8xf32, #tpu.memory_space<hbm>>
      tpu.wait_dma2 semaphore(%run_scoped3A : memref<!tpu.dma_semaphore, #tpu.memory_space<semaphore_mem>>) src(%dma_wait3A_17 : memref<640x8xf32, #tpu.memory_space<hbm>>) dst(%dma_wait3A_15 : memref<640x8xf32, #tpu.memory_space<vmem_shared>>)
      tpu.yield
    }) : () -> ()
    %barrier3A = arith.constant 0 : index
    tpu.barrier barrier_id(%barrier3A)
    %scan3A = arith.constant 0 : i32
    %scan3A_3 = arith.constant 0 : i32
    %scan3A_4 = arith.constant 79 : i32
    %scan3A_5 = arith.addi %scan3A_3, %scan3A_4 : i32
    %scan3A_6 = arith.constant 1 : i32
    scf.for %scan3A_12 = %scan3A_3 to %scan3A_5 step %scan3A_6  : i32 {
      %mul3A_13 = arith.constant 10112 : i32
      %mul3A_14 = arith.muli %add3A, %mul3A_13 : i32
      %mul3A_15 = arith.constant 128 : i32
      %mul3A_16 = arith.muli %scan3A_12, %mul3A_15 : i32
      %add3A_17 = arith.addi %mul3A_14, %mul3A_16 : i32
      "tpu.region"() ({
        %run_scoped3A = tpu.sem_alloc : memref<!tpu.dma_semaphore, #tpu.memory_space<semaphore_mem>>
        %dma_start3A = tpu.memref_slice %arg2[%add3A_17] : memref<323584xi32, #tpu.memory_space<hbm>> -> memref<128xi32, #tpu.memory_space<hbm>>
        %dma_start3A_18 = tpu.memref_slice %arg2[%add3A_17] : memref<323584xi32, #tpu.memory_space<hbm>> -> memref<128xi32, #tpu.memory_space<hbm>>
        tpu.enqueue_dma source(%dma_start3A_18 : memref<128xi32, #tpu.memory_space<hbm>>) target(%arg6 : memref<128xi32, #tpu.memory_space<vmem>>) target_semaphore(%run_scoped3A : memref<!tpu.dma_semaphore, #tpu.memory_space<semaphore_mem>>)
        %dma_wait3A = tpu.memref_slice %arg2[%add3A_17] : memref<323584xi32, #tpu.memory_space<hbm>> -> memref<128xi32, #tpu.memory_space<hbm>>
        %dma_wait3A_19 = tpu.memref_slice %arg2[%add3A_17] : memref<323584xi32, #tpu.memory_space<hbm>> -> memref<128xi32, #tpu.memory_space<hbm>>
        tpu.wait_dma2 semaphore(%run_scoped3A : memref<!tpu.dma_semaphore, #tpu.memory_space<semaphore_mem>>) src(%dma_wait3A_19 : memref<128xi32, #tpu.memory_space<hbm>>) dst(%arg6 : memref<128xi32, #tpu.memory_space<vmem>>)
        tpu.yield
      }) : () -> ()
      "tpu.region"() ({
        %run_scoped3A = tpu.sem_alloc : memref<!tpu.dma_semaphore, #tpu.memory_space<semaphore_mem>>
        %dma_start3A = arith.constant 0 : i32
        %dma_start3A_18 = arith.constant 0 : i32
        %dma_start3A_19 = tpu.memref_slice %arg8[%dma_start3A, %dma_start3A_18] : memref<10240x8xf32, #tpu.memory_space<vmem_shared>> -> memref<10240x8xf32, #tpu.memory_space<vmem_shared>>
        tpu.enqueue_indirect_dma source(%arg7 : memref<128x8xf32, #tpu.memory_space<vmem>>) target(%dma_start3A_19 : memref<10240x8xf32, #tpu.memory_space<vmem_shared>>) offsets(%arg6 : memref<128xi32, #tpu.memory_space<vmem>>) semaphore(%run_scoped3A : memref<!tpu.dma_semaphore, #tpu.memory_space<semaphore_mem>>) {add = true}
        %dma_wait3A = arith.constant 0 : i32
        %dma_wait3A_20 = arith.constant 0 : i32
        %dma_wait3A_21 = tpu.memref_slice %arg8[%dma_wait3A, %dma_wait3A_20] : memref<10240x8xf32, #tpu.memory_space<vmem_shared>> -> memref<10240x8xf32, #tpu.memory_space<vmem_shared>>
        tpu.wait_indirect_dma semaphore(%run_scoped3A : memref<!tpu.dma_semaphore, #tpu.memory_space<semaphore_mem>>) src(%arg7 : memref<128x8xf32, #tpu.memory_space<vmem>>) dst(%dma_wait3A_21 : memref<10240x8xf32, #tpu.memory_space<vmem_shared>>)
        tpu.yield
      }) : () -> ()
    }
    %scan3A_7 = arith.constant 79 : i32
    %barrier3A_8 = arith.constant 0 : index
    tpu.barrier barrier_id(%barrier3A_8)
    %mul3A_9 = arith.constant 10240 : i32
    %mul3A_10 = arith.muli %arg0, %mul3A_9 : i32
    %add3A_11 = arith.addi %mul3A_10, %mul3A_2 : i32
    "tpu.region"() ({
      %run_scoped3A = tpu.sem_alloc : memref<!tpu.dma_semaphore, #tpu.memory_space<semaphore_mem>>
      %dma_start3A = arith.constant 0 : i32
      %dma_start3A_12 = tpu.memref_slice %arg5[%add3A_11, %dma_start3A] : memref<20480x8xf32, #tpu.memory_space<hbm>> -> memref<640x8xf32, #tpu.memory_space<hbm>>
      %dma_start3A_13 = arith.constant 0 : i32
      %dma_start3A_14 = tpu.memref_slice %arg8[%mul3A_2, %dma_start3A_13] : memref<10240x8xf32, #tpu.memory_space<vmem_shared>> -> memref<640x8xf32, #tpu.memory_space<vmem_shared>>
      tpu.enqueue_dma source(%dma_start3A_14 : memref<640x8xf32, #tpu.memory_space<vmem_shared>>) target(%dma_start3A_12 : memref<640x8xf32, #tpu.memory_space<hbm>>) target_semaphore(%run_scoped3A : memref<!tpu.dma_semaphore, #tpu.memory_space<semaphore_mem>>)
      %dma_wait3A = arith.constant 0 : i32
      %dma_wait3A_15 = tpu.memref_slice %arg5[%add3A_11, %dma_wait3A] : memref<20480x8xf32, #tpu.memory_space<hbm>> -> memref<640x8xf32, #tpu.memory_space<hbm>>
      %dma_wait3A_16 = arith.constant 0 : i32
      %dma_wait3A_17 = tpu.memref_slice %arg8[%mul3A_2, %dma_wait3A_16] : memref<10240x8xf32, #tpu.memory_space<vmem_shared>> -> memref<640x8xf32, #tpu.memory_space<vmem_shared>>
      tpu.wait_dma2 semaphore(%run_scoped3A : memref<!tpu.dma_semaphore, #tpu.memory_space<semaphore_mem>>) src(%dma_wait3A_17 : memref<640x8xf32, #tpu.memory_space<vmem_shared>>) dst(%dma_wait3A_15 : memref<640x8xf32, #tpu.memory_space<hbm>>)
      tpu.yield
    }) : () -> ()
    return
  }
}

#map = affine_map<(d0, d1) -> (0, 0)>
#map1 = affine_map<(d0, d1) -> (0)>
module attributes {stable_mosaic.version = 14 : i64} {
  func.func @_edge_sum_kernel(%arg0: i32, %arg1: i32, %arg2: memref<10240x32xf32, #tpu.memory_space<hbm>>, %arg3: memref<323584xi32, #tpu.memory_space<hbm>>, %arg4: memref<323584xi32, #tpu.memory_space<hbm>>, %arg5: memref<10240x32xf32, #tpu.memory_space<hbm>>, %arg6: memref<20480x32xf32, #tpu.memory_space<hbm>>, %arg7: memref<128xi32, #tpu.memory_space<vmem>>, %arg8: memref<128xi32, #tpu.memory_space<vmem>>, %arg9: memref<128x32xf32, #tpu.memory_space<vmem>>, %arg10: memref<10240x32xf32, #tpu.memory_space<vmem_shared>>) attributes {dimension_semantics = [#tpu.dimension_semantics<core_parallel>, #tpu.dimension_semantics<subcore_parallel>], iteration_bounds = array<i64: 2, 16>, scalar_prefetch = 0 : i64, scratch_operands = 4 : i64, tpu.core_type = #tpu.core_type<sc_vector_subcore>, window_params = [{transform_indices = #map}, {transform_indices = #map1}, {transform_indices = #map1}, {transform_indices = #map}, {transform_indices = #map}]} {
    %mul3A = arith.constant 16 : i32
    %mul3A_0 = arith.muli %arg0, %mul3A : i32
    %add3A = arith.addi %mul3A_0, %arg1 : i32
    %mul3A_1 = arith.constant 640 : i32
    %mul3A_2 = arith.muli %arg1, %mul3A_1 : i32
    "tpu.region"() ({
      %run_scoped3A = tpu.sem_alloc : memref<!tpu.dma_semaphore, #tpu.memory_space<semaphore_mem>>
      %dma_start3A = arith.constant 0 : i32
      %dma_start3A_12 = tpu.memref_slice %arg10[%mul3A_2, %dma_start3A] : memref<10240x32xf32, #tpu.memory_space<vmem_shared>> -> memref<640x32xf32, #tpu.memory_space<vmem_shared>>
      %dma_start3A_13 = arith.constant 0 : i32
      %dma_start3A_14 = tpu.memref_slice %arg5[%mul3A_2, %dma_start3A_13] : memref<10240x32xf32, #tpu.memory_space<hbm>> -> memref<640x32xf32, #tpu.memory_space<hbm>>
      tpu.enqueue_dma source(%dma_start3A_14 : memref<640x32xf32, #tpu.memory_space<hbm>>) target(%dma_start3A_12 : memref<640x32xf32, #tpu.memory_space<vmem_shared>>) target_semaphore(%run_scoped3A : memref<!tpu.dma_semaphore, #tpu.memory_space<semaphore_mem>>)
      %dma_wait3A = arith.constant 0 : i32
      %dma_wait3A_15 = tpu.memref_slice %arg10[%mul3A_2, %dma_wait3A] : memref<10240x32xf32, #tpu.memory_space<vmem_shared>> -> memref<640x32xf32, #tpu.memory_space<vmem_shared>>
      %dma_wait3A_16 = arith.constant 0 : i32
      %dma_wait3A_17 = tpu.memref_slice %arg5[%mul3A_2, %dma_wait3A_16] : memref<10240x32xf32, #tpu.memory_space<hbm>> -> memref<640x32xf32, #tpu.memory_space<hbm>>
      tpu.wait_dma2 semaphore(%run_scoped3A : memref<!tpu.dma_semaphore, #tpu.memory_space<semaphore_mem>>) src(%dma_wait3A_17 : memref<640x32xf32, #tpu.memory_space<hbm>>) dst(%dma_wait3A_15 : memref<640x32xf32, #tpu.memory_space<vmem_shared>>)
      tpu.yield
    }) : () -> ()
    %barrier3A = arith.constant 0 : index
    tpu.barrier barrier_id(%barrier3A)
    %scan3A = arith.constant 0 : i32
    %scan3A_3 = arith.constant 0 : i32
    %scan3A_4 = arith.constant 79 : i32
    %scan3A_5 = arith.addi %scan3A_3, %scan3A_4 : i32
    %scan3A_6 = arith.constant 1 : i32
    scf.for %scan3A_12 = %scan3A_3 to %scan3A_5 step %scan3A_6  : i32 {
      %mul3A_13 = arith.constant 10112 : i32
      %mul3A_14 = arith.muli %add3A, %mul3A_13 : i32
      %mul3A_15 = arith.constant 128 : i32
      %mul3A_16 = arith.muli %scan3A_12, %mul3A_15 : i32
      %add3A_17 = arith.addi %mul3A_14, %mul3A_16 : i32
      "tpu.region"() ({
        %run_scoped3A = tpu.sem_alloc : memref<!tpu.dma_semaphore, #tpu.memory_space<semaphore_mem>>
        %dma_start3A = tpu.memref_slice %arg3[%add3A_17] : memref<323584xi32, #tpu.memory_space<hbm>> -> memref<128xi32, #tpu.memory_space<hbm>>
        %dma_start3A_18 = tpu.memref_slice %arg3[%add3A_17] : memref<323584xi32, #tpu.memory_space<hbm>> -> memref<128xi32, #tpu.memory_space<hbm>>
        tpu.enqueue_dma source(%dma_start3A_18 : memref<128xi32, #tpu.memory_space<hbm>>) target(%arg7 : memref<128xi32, #tpu.memory_space<vmem>>) target_semaphore(%run_scoped3A : memref<!tpu.dma_semaphore, #tpu.memory_space<semaphore_mem>>)
        %dma_wait3A = tpu.memref_slice %arg3[%add3A_17] : memref<323584xi32, #tpu.memory_space<hbm>> -> memref<128xi32, #tpu.memory_space<hbm>>
        %dma_wait3A_19 = tpu.memref_slice %arg3[%add3A_17] : memref<323584xi32, #tpu.memory_space<hbm>> -> memref<128xi32, #tpu.memory_space<hbm>>
        tpu.wait_dma2 semaphore(%run_scoped3A : memref<!tpu.dma_semaphore, #tpu.memory_space<semaphore_mem>>) src(%dma_wait3A_19 : memref<128xi32, #tpu.memory_space<hbm>>) dst(%arg7 : memref<128xi32, #tpu.memory_space<vmem>>)
        tpu.yield
      }) : () -> ()
      "tpu.region"() ({
        %run_scoped3A = tpu.sem_alloc : memref<!tpu.dma_semaphore, #tpu.memory_space<semaphore_mem>>
        %dma_start3A = tpu.memref_slice %arg4[%add3A_17] : memref<323584xi32, #tpu.memory_space<hbm>> -> memref<128xi32, #tpu.memory_space<hbm>>
        %dma_start3A_18 = tpu.memref_slice %arg4[%add3A_17] : memref<323584xi32, #tpu.memory_space<hbm>> -> memref<128xi32, #tpu.memory_space<hbm>>
        tpu.enqueue_dma source(%dma_start3A_18 : memref<128xi32, #tpu.memory_space<hbm>>) target(%arg8 : memref<128xi32, #tpu.memory_space<vmem>>) target_semaphore(%run_scoped3A : memref<!tpu.dma_semaphore, #tpu.memory_space<semaphore_mem>>)
        %dma_wait3A = tpu.memref_slice %arg4[%add3A_17] : memref<323584xi32, #tpu.memory_space<hbm>> -> memref<128xi32, #tpu.memory_space<hbm>>
        %dma_wait3A_19 = tpu.memref_slice %arg4[%add3A_17] : memref<323584xi32, #tpu.memory_space<hbm>> -> memref<128xi32, #tpu.memory_space<hbm>>
        tpu.wait_dma2 semaphore(%run_scoped3A : memref<!tpu.dma_semaphore, #tpu.memory_space<semaphore_mem>>) src(%dma_wait3A_19 : memref<128xi32, #tpu.memory_space<hbm>>) dst(%arg8 : memref<128xi32, #tpu.memory_space<vmem>>)
        tpu.yield
      }) : () -> ()
      "tpu.region"() ({
        %run_scoped3A = tpu.sem_alloc : memref<!tpu.dma_semaphore, #tpu.memory_space<semaphore_mem>>
        %dma_start3A = arith.constant 0 : i32
        %dma_start3A_18 = arith.constant 0 : i32
        %dma_start3A_19 = tpu.memref_slice %arg2[%dma_start3A, %dma_start3A_18] : memref<10240x32xf32, #tpu.memory_space<hbm>> -> memref<10240x32xf32, #tpu.memory_space<hbm>>
        tpu.enqueue_indirect_dma source(%dma_start3A_19 : memref<10240x32xf32, #tpu.memory_space<hbm>>) target(%arg9 : memref<128x32xf32, #tpu.memory_space<vmem>>) offsets(%arg7 : memref<128xi32, #tpu.memory_space<vmem>>) semaphore(%run_scoped3A : memref<!tpu.dma_semaphore, #tpu.memory_space<semaphore_mem>>)
        %dma_wait3A = arith.constant 0 : i32
        %dma_wait3A_20 = arith.constant 0 : i32
        %dma_wait3A_21 = tpu.memref_slice %arg2[%dma_wait3A, %dma_wait3A_20] : memref<10240x32xf32, #tpu.memory_space<hbm>> -> memref<10240x32xf32, #tpu.memory_space<hbm>>
        tpu.wait_indirect_dma semaphore(%run_scoped3A : memref<!tpu.dma_semaphore, #tpu.memory_space<semaphore_mem>>) src(%dma_wait3A_21 : memref<10240x32xf32, #tpu.memory_space<hbm>>) dst(%arg9 : memref<128x32xf32, #tpu.memory_space<vmem>>)
        tpu.yield
      }) : () -> ()
      "tpu.region"() ({
        %run_scoped3A = tpu.sem_alloc : memref<!tpu.dma_semaphore, #tpu.memory_space<semaphore_mem>>
        %dma_start3A = arith.constant 0 : i32
        %dma_start3A_18 = arith.constant 0 : i32
        %dma_start3A_19 = tpu.memref_slice %arg10[%dma_start3A, %dma_start3A_18] : memref<10240x32xf32, #tpu.memory_space<vmem_shared>> -> memref<10240x32xf32, #tpu.memory_space<vmem_shared>>
        tpu.enqueue_indirect_dma source(%arg9 : memref<128x32xf32, #tpu.memory_space<vmem>>) target(%dma_start3A_19 : memref<10240x32xf32, #tpu.memory_space<vmem_shared>>) offsets(%arg8 : memref<128xi32, #tpu.memory_space<vmem>>) semaphore(%run_scoped3A : memref<!tpu.dma_semaphore, #tpu.memory_space<semaphore_mem>>) {add = true}
        %dma_wait3A = arith.constant 0 : i32
        %dma_wait3A_20 = arith.constant 0 : i32
        %dma_wait3A_21 = tpu.memref_slice %arg10[%dma_wait3A, %dma_wait3A_20] : memref<10240x32xf32, #tpu.memory_space<vmem_shared>> -> memref<10240x32xf32, #tpu.memory_space<vmem_shared>>
        tpu.wait_indirect_dma semaphore(%run_scoped3A : memref<!tpu.dma_semaphore, #tpu.memory_space<semaphore_mem>>) src(%arg9 : memref<128x32xf32, #tpu.memory_space<vmem>>) dst(%dma_wait3A_21 : memref<10240x32xf32, #tpu.memory_space<vmem_shared>>)
        tpu.yield
      }) : () -> ()
    }
    %scan3A_7 = arith.constant 79 : i32
    %barrier3A_8 = arith.constant 0 : index
    tpu.barrier barrier_id(%barrier3A_8)
    %mul3A_9 = arith.constant 10240 : i32
    %mul3A_10 = arith.muli %arg0, %mul3A_9 : i32
    %add3A_11 = arith.addi %mul3A_10, %mul3A_2 : i32
    "tpu.region"() ({
      %run_scoped3A = tpu.sem_alloc : memref<!tpu.dma_semaphore, #tpu.memory_space<semaphore_mem>>
      %dma_start3A = arith.constant 0 : i32
      %dma_start3A_12 = tpu.memref_slice %arg6[%add3A_11, %dma_start3A] : memref<20480x32xf32, #tpu.memory_space<hbm>> -> memref<640x32xf32, #tpu.memory_space<hbm>>
      %dma_start3A_13 = arith.constant 0 : i32
      %dma_start3A_14 = tpu.memref_slice %arg10[%mul3A_2, %dma_start3A_13] : memref<10240x32xf32, #tpu.memory_space<vmem_shared>> -> memref<640x32xf32, #tpu.memory_space<vmem_shared>>
      tpu.enqueue_dma source(%dma_start3A_14 : memref<640x32xf32, #tpu.memory_space<vmem_shared>>) target(%dma_start3A_12 : memref<640x32xf32, #tpu.memory_space<hbm>>) target_semaphore(%run_scoped3A : memref<!tpu.dma_semaphore, #tpu.memory_space<semaphore_mem>>)
      %dma_wait3A = arith.constant 0 : i32
      %dma_wait3A_15 = tpu.memref_slice %arg6[%add3A_11, %dma_wait3A] : memref<20480x32xf32, #tpu.memory_space<hbm>> -> memref<640x32xf32, #tpu.memory_space<hbm>>
      %dma_wait3A_16 = arith.constant 0 : i32
      %dma_wait3A_17 = tpu.memref_slice %arg10[%mul3A_2, %dma_wait3A_16] : memref<10240x32xf32, #tpu.memory_space<vmem_shared>> -> memref<640x32xf32, #tpu.memory_space<vmem_shared>>
      tpu.wait_dma2 semaphore(%run_scoped3A : memref<!tpu.dma_semaphore, #tpu.memory_space<semaphore_mem>>) src(%dma_wait3A_17 : memref<640x32xf32, #tpu.memory_space<vmem_shared>>) dst(%dma_wait3A_15 : memref<640x32xf32, #tpu.memory_space<hbm>>)
      tpu.yield
    }) : () -> ()
    return
  }
}

#map = affine_map<(d0, d1) -> (0, 0)>
#map1 = affine_map<(d0, d1) -> (0)>
module attributes {stable_mosaic.version = 14 : i64} {
  func.func @_edge_sum_kernel(%arg0: i32, %arg1: i32, %arg2: memref<10240x32xf32, #tpu.memory_space<hbm>>, %arg3: memref<323584xi32, #tpu.memory_space<hbm>>, %arg4: memref<323584xi32, #tpu.memory_space<hbm>>, %arg5: memref<10240x32xf32, #tpu.memory_space<hbm>>, %arg6: memref<20480x32xf32, #tpu.memory_space<hbm>>, %arg7: memref<128xi32, #tpu.memory_space<vmem>>, %arg8: memref<128xi32, #tpu.memory_space<vmem>>, %arg9: memref<128x32xf32, #tpu.memory_space<vmem>>, %arg10: memref<10240x32xf32, #tpu.memory_space<vmem_shared>>) attributes {dimension_semantics = [#tpu.dimension_semantics<core_parallel>, #tpu.dimension_semantics<subcore_parallel>], iteration_bounds = array<i64: 2, 16>, scalar_prefetch = 0 : i64, scratch_operands = 4 : i64, tpu.core_type = #tpu.core_type<sc_vector_subcore>, window_params = [{transform_indices = #map}, {transform_indices = #map1}, {transform_indices = #map1}, {transform_indices = #map}, {transform_indices = #map}]} {
    %mul3A = arith.constant 16 : i32
    %mul3A_0 = arith.muli %arg0, %mul3A : i32
    %add3A = arith.addi %mul3A_0, %arg1 : i32
    %mul3A_1 = arith.constant 640 : i32
    %mul3A_2 = arith.muli %arg1, %mul3A_1 : i32
    "tpu.region"() ({
      %run_scoped3A = tpu.sem_alloc : memref<!tpu.dma_semaphore, #tpu.memory_space<semaphore_mem>>
      %dma_start3A = arith.constant 0 : i32
      %dma_start3A_12 = tpu.memref_slice %arg10[%mul3A_2, %dma_start3A] : memref<10240x32xf32, #tpu.memory_space<vmem_shared>> -> memref<640x32xf32, #tpu.memory_space<vmem_shared>>
      %dma_start3A_13 = arith.constant 0 : i32
      %dma_start3A_14 = tpu.memref_slice %arg5[%mul3A_2, %dma_start3A_13] : memref<10240x32xf32, #tpu.memory_space<hbm>> -> memref<640x32xf32, #tpu.memory_space<hbm>>
      tpu.enqueue_dma source(%dma_start3A_14 : memref<640x32xf32, #tpu.memory_space<hbm>>) target(%dma_start3A_12 : memref<640x32xf32, #tpu.memory_space<vmem_shared>>) target_semaphore(%run_scoped3A : memref<!tpu.dma_semaphore, #tpu.memory_space<semaphore_mem>>)
      %dma_wait3A = arith.constant 0 : i32
      %dma_wait3A_15 = tpu.memref_slice %arg10[%mul3A_2, %dma_wait3A] : memref<10240x32xf32, #tpu.memory_space<vmem_shared>> -> memref<640x32xf32, #tpu.memory_space<vmem_shared>>
      %dma_wait3A_16 = arith.constant 0 : i32
      %dma_wait3A_17 = tpu.memref_slice %arg5[%mul3A_2, %dma_wait3A_16] : memref<10240x32xf32, #tpu.memory_space<hbm>> -> memref<640x32xf32, #tpu.memory_space<hbm>>
      tpu.wait_dma2 semaphore(%run_scoped3A : memref<!tpu.dma_semaphore, #tpu.memory_space<semaphore_mem>>) src(%dma_wait3A_17 : memref<640x32xf32, #tpu.memory_space<hbm>>) dst(%dma_wait3A_15 : memref<640x32xf32, #tpu.memory_space<vmem_shared>>)
      tpu.yield
    }) : () -> ()
    %barrier3A = arith.constant 0 : index
    tpu.barrier barrier_id(%barrier3A)
    %scan3A = arith.constant 0 : i32
    %scan3A_3 = arith.constant 0 : i32
    %scan3A_4 = arith.constant 79 : i32
    %scan3A_5 = arith.addi %scan3A_3, %scan3A_4 : i32
    %scan3A_6 = arith.constant 1 : i32
    scf.for %scan3A_12 = %scan3A_3 to %scan3A_5 step %scan3A_6  : i32 {
      %mul3A_13 = arith.constant 10112 : i32
      %mul3A_14 = arith.muli %add3A, %mul3A_13 : i32
      %mul3A_15 = arith.constant 128 : i32
      %mul3A_16 = arith.muli %scan3A_12, %mul3A_15 : i32
      %add3A_17 = arith.addi %mul3A_14, %mul3A_16 : i32
      "tpu.region"() ({
        %run_scoped3A = tpu.sem_alloc : memref<!tpu.dma_semaphore, #tpu.memory_space<semaphore_mem>>
        %dma_start3A = tpu.memref_slice %arg3[%add3A_17] : memref<323584xi32, #tpu.memory_space<hbm>> -> memref<128xi32, #tpu.memory_space<hbm>>
        %dma_start3A_18 = tpu.memref_slice %arg3[%add3A_17] : memref<323584xi32, #tpu.memory_space<hbm>> -> memref<128xi32, #tpu.memory_space<hbm>>
        tpu.enqueue_dma source(%dma_start3A_18 : memref<128xi32, #tpu.memory_space<hbm>>) target(%arg7 : memref<128xi32, #tpu.memory_space<vmem>>) target_semaphore(%run_scoped3A : memref<!tpu.dma_semaphore, #tpu.memory_space<semaphore_mem>>)
        %dma_wait3A = tpu.memref_slice %arg3[%add3A_17] : memref<323584xi32, #tpu.memory_space<hbm>> -> memref<128xi32, #tpu.memory_space<hbm>>
        %dma_wait3A_19 = tpu.memref_slice %arg3[%add3A_17] : memref<323584xi32, #tpu.memory_space<hbm>> -> memref<128xi32, #tpu.memory_space<hbm>>
        tpu.wait_dma2 semaphore(%run_scoped3A : memref<!tpu.dma_semaphore, #tpu.memory_space<semaphore_mem>>) src(%dma_wait3A_19 : memref<128xi32, #tpu.memory_space<hbm>>) dst(%arg7 : memref<128xi32, #tpu.memory_space<vmem>>)
        tpu.yield
      }) : () -> ()
      "tpu.region"() ({
        %run_scoped3A = tpu.sem_alloc : memref<!tpu.dma_semaphore, #tpu.memory_space<semaphore_mem>>
        %dma_start3A = tpu.memref_slice %arg4[%add3A_17] : memref<323584xi32, #tpu.memory_space<hbm>> -> memref<128xi32, #tpu.memory_space<hbm>>
        %dma_start3A_18 = tpu.memref_slice %arg4[%add3A_17] : memref<323584xi32, #tpu.memory_space<hbm>> -> memref<128xi32, #tpu.memory_space<hbm>>
        tpu.enqueue_dma source(%dma_start3A_18 : memref<128xi32, #tpu.memory_space<hbm>>) target(%arg8 : memref<128xi32, #tpu.memory_space<vmem>>) target_semaphore(%run_scoped3A : memref<!tpu.dma_semaphore, #tpu.memory_space<semaphore_mem>>)
        %dma_wait3A = tpu.memref_slice %arg4[%add3A_17] : memref<323584xi32, #tpu.memory_space<hbm>> -> memref<128xi32, #tpu.memory_space<hbm>>
        %dma_wait3A_19 = tpu.memref_slice %arg4[%add3A_17] : memref<323584xi32, #tpu.memory_space<hbm>> -> memref<128xi32, #tpu.memory_space<hbm>>
        tpu.wait_dma2 semaphore(%run_scoped3A : memref<!tpu.dma_semaphore, #tpu.memory_space<semaphore_mem>>) src(%dma_wait3A_19 : memref<128xi32, #tpu.memory_space<hbm>>) dst(%arg8 : memref<128xi32, #tpu.memory_space<vmem>>)
        tpu.yield
      }) : () -> ()
      "tpu.region"() ({
        %run_scoped3A = tpu.sem_alloc : memref<!tpu.dma_semaphore, #tpu.memory_space<semaphore_mem>>
        %dma_start3A = arith.constant 0 : i32
        %dma_start3A_18 = arith.constant 0 : i32
        %dma_start3A_19 = tpu.memref_slice %arg2[%dma_start3A, %dma_start3A_18] : memref<10240x32xf32, #tpu.memory_space<hbm>> -> memref<10240x32xf32, #tpu.memory_space<hbm>>
        tpu.enqueue_indirect_dma source(%dma_start3A_19 : memref<10240x32xf32, #tpu.memory_space<hbm>>) target(%arg9 : memref<128x32xf32, #tpu.memory_space<vmem>>) offsets(%arg7 : memref<128xi32, #tpu.memory_space<vmem>>) semaphore(%run_scoped3A : memref<!tpu.dma_semaphore, #tpu.memory_space<semaphore_mem>>)
        %dma_wait3A = arith.constant 0 : i32
        %dma_wait3A_20 = arith.constant 0 : i32
        %dma_wait3A_21 = tpu.memref_slice %arg2[%dma_wait3A, %dma_wait3A_20] : memref<10240x32xf32, #tpu.memory_space<hbm>> -> memref<10240x32xf32, #tpu.memory_space<hbm>>
        tpu.wait_indirect_dma semaphore(%run_scoped3A : memref<!tpu.dma_semaphore, #tpu.memory_space<semaphore_mem>>) src(%dma_wait3A_21 : memref<10240x32xf32, #tpu.memory_space<hbm>>) dst(%arg9 : memref<128x32xf32, #tpu.memory_space<vmem>>)
        tpu.yield
      }) : () -> ()
      "tpu.region"() ({
        %run_scoped3A = tpu.sem_alloc : memref<!tpu.dma_semaphore, #tpu.memory_space<semaphore_mem>>
        %dma_start3A = arith.constant 0 : i32
        %dma_start3A_18 = arith.constant 0 : i32
        %dma_start3A_19 = tpu.memref_slice %arg10[%dma_start3A, %dma_start3A_18] : memref<10240x32xf32, #tpu.memory_space<vmem_shared>> -> memref<10240x32xf32, #tpu.memory_space<vmem_shared>>
        tpu.enqueue_indirect_dma source(%arg9 : memref<128x32xf32, #tpu.memory_space<vmem>>) target(%dma_start3A_19 : memref<10240x32xf32, #tpu.memory_space<vmem_shared>>) offsets(%arg8 : memref<128xi32, #tpu.memory_space<vmem>>) semaphore(%run_scoped3A : memref<!tpu.dma_semaphore, #tpu.memory_space<semaphore_mem>>) {add = true}
        %dma_wait3A = arith.constant 0 : i32
        %dma_wait3A_20 = arith.constant 0 : i32
        %dma_wait3A_21 = tpu.memref_slice %arg10[%dma_wait3A, %dma_wait3A_20] : memref<10240x32xf32, #tpu.memory_space<vmem_shared>> -> memref<10240x32xf32, #tpu.memory_space<vmem_shared>>
        tpu.wait_indirect_dma semaphore(%run_scoped3A : memref<!tpu.dma_semaphore, #tpu.memory_space<semaphore_mem>>) src(%arg9 : memref<128x32xf32, #tpu.memory_space<vmem>>) dst(%dma_wait3A_21 : memref<10240x32xf32, #tpu.memory_space<vmem_shared>>)
        tpu.yield
      }) : () -> ()
    }
    %scan3A_7 = arith.constant 79 : i32
    %barrier3A_8 = arith.constant 0 : index
    tpu.barrier barrier_id(%barrier3A_8)
    %mul3A_9 = arith.constant 10240 : i32
    %mul3A_10 = arith.muli %arg0, %mul3A_9 : i32
    %add3A_11 = arith.addi %mul3A_10, %mul3A_2 : i32
    "tpu.region"() ({
      %run_scoped3A = tpu.sem_alloc : memref<!tpu.dma_semaphore, #tpu.memory_space<semaphore_mem>>
      %dma_start3A = arith.constant 0 : i32
      %dma_start3A_12 = tpu.memref_slice %arg6[%add3A_11, %dma_start3A] : memref<20480x32xf32, #tpu.memory_space<hbm>> -> memref<640x32xf32, #tpu.memory_space<hbm>>
      %dma_start3A_13 = arith.constant 0 : i32
      %dma_start3A_14 = tpu.memref_slice %arg10[%mul3A_2, %dma_start3A_13] : memref<10240x32xf32, #tpu.memory_space<vmem_shared>> -> memref<640x32xf32, #tpu.memory_space<vmem_shared>>
      tpu.enqueue_dma source(%dma_start3A_14 : memref<640x32xf32, #tpu.memory_space<vmem_shared>>) target(%dma_start3A_12 : memref<640x32xf32, #tpu.memory_space<hbm>>) target_semaphore(%run_scoped3A : memref<!tpu.dma_semaphore, #tpu.memory_space<semaphore_mem>>)
      %dma_wait3A = arith.constant 0 : i32
      %dma_wait3A_15 = tpu.memref_slice %arg6[%add3A_11, %dma_wait3A] : memref<20480x32xf32, #tpu.memory_space<hbm>> -> memref<640x32xf32, #tpu.memory_space<hbm>>
      %dma_wait3A_16 = arith.constant 0 : i32
      %dma_wait3A_17 = tpu.memref_slice %arg10[%mul3A_2, %dma_wait3A_16] : memref<10240x32xf32, #tpu.memory_space<vmem_shared>> -> memref<640x32xf32, #tpu.memory_space<vmem_shared>>
      tpu.wait_dma2 semaphore(%run_scoped3A : memref<!tpu.dma_semaphore, #tpu.memory_space<semaphore_mem>>) src(%dma_wait3A_17 : memref<640x32xf32, #tpu.memory_space<vmem_shared>>) dst(%dma_wait3A_15 : memref<640x32xf32, #tpu.memory_space<hbm>>)
      tpu.yield
    }) : () -> ()
    return
  }
}

module attributes {stable_mosaic.version = 14 : i64} {
  func.func @_stage1_body(%arg0: memref<10240x128xf32, #tpu.memory_space<vmem>>, %arg1: memref<128x32xf32, #tpu.memory_space<vmem>>, %arg2: memref<20480x8xf32, #tpu.memory_space<vmem>>, %arg3: memref<10240x32xf32, #tpu.memory_space<vmem>>, %arg4: memref<10240x1xf32, #tpu.memory_space<vmem>>) attributes {dimension_semantics = [], scalar_prefetch = 0 : i64, scratch_operands = 0 : i64, tpu.core_type = #tpu.core_type<tc>} {
    %get3A = arith.constant 0 : index
    %get3A_0 = arith.constant 0 : index
    %get3A_1 = vector.load %arg2[%get3A, %get3A_0] : memref<20480x8xf32, #tpu.memory_space<vmem>>, vector<10240x1xf32>
    %get3A_2 = arith.constant 10240 : index
    %get3A_3 = arith.constant 0 : index
    %get3A_4 = vector.load %arg2[%get3A_2, %get3A_3] : memref<20480x8xf32, #tpu.memory_space<vmem>>, vector<10240x1xf32>
    %add3A = arith.addf %get3A_1, %get3A_4 : vector<10240x1xf32>
    %add3A_5 = arith.constant 1.000000e+00 : f32
    %add3A_6 = vector.broadcast %add3A_5 : f32 to vector<10240x1xf32>
    %add3A_7 = arith.addf %add3A, %add3A_6 : vector<10240x1xf32>
    %sqrt3A = math.sqrt %add3A_7 : vector<10240x1xf32>
    %div3A = arith.constant 1.000000e+00 : f32
    %div3A_8 = vector.broadcast %div3A : f32 to vector<10240x1xf32>
    %div3A_9 = arith.divf %div3A_8, %sqrt3A : vector<10240x1xf32>
    %get3A_10 = arith.constant 0 : index
    %get3A_11 = arith.constant 0 : index
    %get3A_12 = vector.load %arg0[%get3A_10, %get3A_11] : memref<10240x128xf32, #tpu.memory_space<vmem>>, vector<10240x128xf32>
    %get3A_13 = arith.constant 0 : index
    %get3A_14 = arith.constant 0 : index
    %get3A_15 = vector.load %arg1[%get3A_13, %get3A_14] : memref<128x32xf32, #tpu.memory_space<vmem>>, vector<128x32xf32>
    %dot_general3A = arith.constant dense<0.000000e+00> : vector<10240x32xf32>
    %dot_general3A_16 = tpu.matmul %get3A_12, %get3A_15, %dot_general3A {dimension_numbers = #tpu.dot_dimension_numbers<[1], [0], [0], [1], [0, 0, 1, 1], [], []>, transpose_lhs_hint = false} : vector<10240x128xf32>, vector<128x32xf32>, vector<10240x32xf32> -> vector<10240x32xf32>
    %mul3A = vector.broadcast %div3A_9 : vector<10240x1xf32> to vector<10240x32xf32>
    %mul3A_17 = arith.mulf %dot_general3A_16, %mul3A : vector<10240x32xf32>
    %swap3A = arith.constant 0 : index
    %swap3A_18 = arith.constant 0 : index
    %swap3A_19 = vector.load %arg3[%swap3A, %swap3A_18] : memref<10240x32xf32, #tpu.memory_space<vmem>>, vector<10240x32xf32>
    tpu.vector_store %arg3[%swap3A, %swap3A_18], %mul3A_17 {strides = array<i32>} : memref<10240x32xf32, #tpu.memory_space<vmem>>, vector<10240x32xf32>,
    %swap3A_20 = arith.constant 0 : index
    %swap3A_21 = arith.constant 0 : index
    %swap3A_22 = vector.load %arg4[%swap3A_20, %swap3A_21] : memref<10240x1xf32, #tpu.memory_space<vmem>>, vector<10240x1xf32>
    tpu.vector_store %arg4[%swap3A_20, %swap3A_21], %div3A_9 {strides = array<i32>} : memref<10240x1xf32, #tpu.memory_space<vmem>>, vector<10240x1xf32>,
    return
  }
}

module attributes {stable_mosaic.version = 14 : i64} {
  func.func @_mid_body(%arg0: memref<20480x32xf32, #tpu.memory_space<vmem>>, %arg1: memref<10240x32xf32, #tpu.memory_space<vmem>>, %arg2: memref<10240x1xf32, #tpu.memory_space<vmem>>, %arg3: memref<1x32xf32, #tpu.memory_space<vmem>>, %arg4: memref<1x32xf32, #tpu.memory_space<vmem>>, %arg5: memref<1x32xf32, #tpu.memory_space<vmem>>, %arg6: memref<32x32xf32, #tpu.memory_space<vmem>>, %arg7: memref<10240x32xf32, #tpu.memory_space<vmem>>) attributes {dimension_semantics = [], scalar_prefetch = 0 : i64, scratch_operands = 0 : i64, tpu.core_type = #tpu.core_type<tc>} {
    %get3A = arith.constant 0 : index
    %get3A_0 = arith.constant 0 : index
    %get3A_1 = vector.load %arg2[%get3A, %get3A_0] : memref<10240x1xf32, #tpu.memory_space<vmem>>, vector<10240x1xf32>
    %get3A_2 = arith.constant 0 : index
    %get3A_3 = arith.constant 0 : index
    %get3A_4 = vector.load %arg0[%get3A_2, %get3A_3] : memref<20480x32xf32, #tpu.memory_space<vmem>>, vector<10240x32xf32>
    %get3A_5 = arith.constant 10240 : index
    %get3A_6 = arith.constant 0 : index
    %get3A_7 = vector.load %arg0[%get3A_5, %get3A_6] : memref<20480x32xf32, #tpu.memory_space<vmem>>, vector<10240x32xf32>
    %add3A = arith.addf %get3A_4, %get3A_7 : vector<10240x32xf32>
    %get3A_8 = arith.constant 0 : index
    %get3A_9 = arith.constant 0 : index
    %get3A_10 = vector.load %arg1[%get3A_8, %get3A_9] : memref<10240x32xf32, #tpu.memory_space<vmem>>, vector<10240x32xf32>
    %add3A_11 = arith.addf %add3A, %get3A_10 : vector<10240x32xf32>
    %mul3A = vector.broadcast %get3A_1 : vector<10240x1xf32> to vector<10240x32xf32>
    %mul3A_12 = arith.mulf %add3A_11, %mul3A : vector<10240x32xf32>
    %get3A_13 = arith.constant 0 : index
    %get3A_14 = arith.constant 0 : index
    %get3A_15 = vector.load %arg3[%get3A_13, %get3A_14] : memref<1x32xf32, #tpu.memory_space<vmem>>, vector<1x32xf32>
    %add3A_16 = vector.broadcast %get3A_15 : vector<1x32xf32> to vector<10240x32xf32>
    %add3A_17 = arith.addf %mul3A_12, %add3A_16 : vector<10240x32xf32>
    %iota3A = tpu.iota {dimensions = array<i32: 0>} : vector<10240x1xi32>
    %lt3A = arith.constant 10000 : i32
    %lt3A_18 = vector.broadcast %lt3A : i32 to vector<10240x1xi32>
    %lt3A_19 = arith.cmpi slt, %iota3A, %lt3A_18 : vector<10240x1xi32>
    %jit3A = arith.constant 0.000000e+00 : f32
    %broadcast_in_dim3A = vector.shape_cast %lt3A_19 : vector<10240x1xi1> to vector<10240x1xi1>
    %broadcast_in_dim3A_20 = vector.broadcast %broadcast_in_dim3A : vector<10240x1xi1> to vector<10240x32xi1>
    %broadcast_in_dim3A_21 = vector.broadcast %jit3A : f32 to vector<10240x32xf32>
    %select_n3A = arith.select %broadcast_in_dim3A_20, %add3A_17, %broadcast_in_dim3A_21 : vector<10240x32xi1>, vector<10240x32xf32>
    %reduce_sum3A = arith.constant dense<0.000000e+00> : vector<32xf32>
    %reduce_sum3A_22 = vector.multi_reduction <add>, %select_n3A, %reduce_sum3A [0] : vector<10240x32xf32> to vector<32xf32>
    %broadcast_in_dim3A_23 = vector.shape_cast %reduce_sum3A_22 : vector<32xf32> to vector<1x32xf32>
    %div3A = arith.constant 1.000000e+04 : f32
    %div3A_24 = vector.broadcast %div3A : f32 to vector<1x32xf32>
    %div3A_25 = arith.divf %broadcast_in_dim3A_23, %div3A_24 : vector<1x32xf32>
    %sub3A = vector.broadcast %div3A_25 : vector<1x32xf32> to vector<10240x32xf32>
    %sub3A_26 = arith.subf %add3A_17, %sub3A : vector<10240x32xf32>
    %integer_pow3A = arith.mulf %sub3A_26, %sub3A_26 : vector<10240x32xf32>
    %jit3A_27 = arith.constant 0.000000e+00 : f32
    %broadcast_in_dim3A_28 = vector.shape_cast %lt3A_19 : vector<10240x1xi1> to vector<10240x1xi1>
    %broadcast_in_dim3A_29 = vector.broadcast %broadcast_in_dim3A_28 : vector<10240x1xi1> to vector<10240x32xi1>
    %broadcast_in_dim3A_30 = vector.broadcast %jit3A_27 : f32 to vector<10240x32xf32>
    %select_n3A_31 = arith.select %broadcast_in_dim3A_29, %integer_pow3A, %broadcast_in_dim3A_30 : vector<10240x32xi1>, vector<10240x32xf32>
    %reduce_sum3A_32 = arith.constant dense<0.000000e+00> : vector<32xf32>
    %reduce_sum3A_33 = vector.multi_reduction <add>, %select_n3A_31, %reduce_sum3A_32 [0] : vector<10240x32xf32> to vector<32xf32>
    %broadcast_in_dim3A_34 = vector.shape_cast %reduce_sum3A_33 : vector<32xf32> to vector<1x32xf32>
    %div3A_35 = arith.constant 1.000000e+04 : f32
    %div3A_36 = vector.broadcast %div3A_35 : f32 to vector<1x32xf32>
    %div3A_37 = arith.divf %broadcast_in_dim3A_34, %div3A_36 : vector<1x32xf32>
    %sub3A_38 = vector.broadcast %div3A_25 : vector<1x32xf32> to vector<10240x32xf32>
    %sub3A_39 = arith.subf %add3A_17, %sub3A_38 : vector<10240x32xf32>
    %add3A_40 = arith.constant 9.99999974E-6 : f32
    %add3A_41 = vector.broadcast %add3A_40 : f32 to vector<1x32xf32>
    %add3A_42 = arith.addf %div3A_37, %add3A_41 : vector<1x32xf32>
    %sqrt3A = math.sqrt %add3A_42 : vector<1x32xf32>
    %div3A_43 = vector.broadcast %sqrt3A : vector<1x32xf32> to vector<10240x32xf32>
    %div3A_44 = arith.divf %sub3A_39, %div3A_43 : vector<10240x32xf32>
    %get3A_45 = arith.constant 0 : index
    %get3A_46 = arith.constant 0 : index
    %get3A_47 = vector.load %arg4[%get3A_45, %get3A_46] : memref<1x32xf32, #tpu.memory_space<vmem>>, vector<1x32xf32>
    %mul3A_48 = vector.broadcast %get3A_47 : vector<1x32xf32> to vector<10240x32xf32>
    %mul3A_49 = arith.mulf %div3A_44, %mul3A_48 : vector<10240x32xf32>
    %get3A_50 = arith.constant 0 : index
    %get3A_51 = arith.constant 0 : index
    %get3A_52 = vector.load %arg5[%get3A_50, %get3A_51] : memref<1x32xf32, #tpu.memory_space<vmem>>, vector<1x32xf32>
    %add3A_53 = vector.broadcast %get3A_52 : vector<1x32xf32> to vector<10240x32xf32>
    %add3A_54 = arith.addf %mul3A_49, %add3A_53 : vector<10240x32xf32>
    %max3A = arith.constant 0.000000e+00 : f32
    %max3A_55 = vector.broadcast %max3A : f32 to vector<10240x32xf32>
    %max3A_56 = arith.maximumf %add3A_54, %max3A_55 : vector<10240x32xf32>
    %jit3A_57 = arith.constant 0.000000e+00 : f32
    %broadcast_in_dim3A_58 = vector.shape_cast %lt3A_19 : vector<10240x1xi1> to vector<10240x1xi1>
    %broadcast_in_dim3A_59 = vector.broadcast %broadcast_in_dim3A_58 : vector<10240x1xi1> to vector<10240x32xi1>
    %broadcast_in_dim3A_60 = vector.broadcast %jit3A_57 : f32 to vector<10240x32xf32>
    %select_n3A_61 = arith.select %broadcast_in_dim3A_59, %max3A_56, %broadcast_in_dim3A_60 : vector<10240x32xi1>, vector<10240x32xf32>
    %get3A_62 = arith.constant 0 : index
    %get3A_63 = arith.constant 0 : index
    %get3A_64 = vector.load %arg6[%get3A_62, %get3A_63] : memref<32x32xf32, #tpu.memory_space<vmem>>, vector<32x32xf32>
    %dot_general3A = arith.constant dense<0.000000e+00> : vector<10240x32xf32>
    %dot_general3A_65 = tpu.matmul %select_n3A_61, %get3A_64, %dot_general3A {dimension_numbers = #tpu.dot_dimension_numbers<[1], [0], [0], [1], [0, 0, 1, 1], [], []>, transpose_lhs_hint = false} : vector<10240x32xf32>, vector<32x32xf32>, vector<10240x32xf32> -> vector<10240x32xf32>
    %mul3A_66 = vector.broadcast %get3A_1 : vector<10240x1xf32> to vector<10240x32xf32>
    %mul3A_67 = arith.mulf %dot_general3A_65, %mul3A_66 : vector<10240x32xf32>
    %swap3A = arith.constant 0 : index
    %swap3A_68 = arith.constant 0 : index
    %swap3A_69 = vector.load %arg7[%swap3A, %swap3A_68] : memref<10240x32xf32, #tpu.memory_space<vmem>>, vector<10240x32xf32>
    tpu.vector_store %arg7[%swap3A, %swap3A_68], %mul3A_67 {strides = array<i32>} : memref<10240x32xf32, #tpu.memory_space<vmem>>, vector<10240x32xf32>,
    return
  }
}

module attributes {stable_mosaic.version = 14 : i64} {
  func.func @_final_body(%arg0: memref<20480x32xf32, #tpu.memory_space<vmem>>, %arg1: memref<10240x32xf32, #tpu.memory_space<vmem>>, %arg2: memref<10240x1xf32, #tpu.memory_space<vmem>>, %arg3: memref<1x32xf32, #tpu.memory_space<vmem>>, %arg4: memref<1x10240xi32, #tpu.memory_space<vmem>>, %arg5: memref<32x32xf32, #tpu.memory_space<vmem>>, %arg6: memref<1x32xf32, #tpu.memory_space<vmem>>, %arg7: memref<1x32xf32, #tpu.memory_space<vmem>>, %arg8: memref<1x32xf32, #tpu.memory_space<vmem>>, %arg9: memref<32x32xf32, #tpu.memory_space<vmem>>, %arg10: memref<1x32xf32, #tpu.memory_space<vmem>>, %arg11: memref<1x32xf32, #tpu.memory_space<vmem>>, %arg12: memref<1x32xf32, #tpu.memory_space<vmem>>, %arg13: memref<32x1xf32, #tpu.memory_space<vmem>>, %arg14: memref<1x1xf32, #tpu.memory_space<vmem>>, %arg15: memref<64x1xf32, #tpu.memory_space<vmem>>) attributes {dimension_semantics = [], scalar_prefetch = 0 : i64, scratch_operands = 0 : i64, tpu.core_type = #tpu.core_type<tc>} {
    %get3A = arith.constant 0 : index
    %get3A_0 = arith.constant 0 : index
    %get3A_1 = vector.load %arg0[%get3A, %get3A_0] : memref<20480x32xf32, #tpu.memory_space<vmem>>, vector<10240x32xf32>
    %get3A_2 = arith.constant 10240 : index
    %get3A_3 = arith.constant 0 : index
    %get3A_4 = vector.load %arg0[%get3A_2, %get3A_3] : memref<20480x32xf32, #tpu.memory_space<vmem>>, vector<10240x32xf32>
    %add3A = arith.addf %get3A_1, %get3A_4 : vector<10240x32xf32>
    %get3A_5 = arith.constant 0 : index
    %get3A_6 = arith.constant 0 : index
    %get3A_7 = vector.load %arg1[%get3A_5, %get3A_6] : memref<10240x32xf32, #tpu.memory_space<vmem>>, vector<10240x32xf32>
    %add3A_8 = arith.addf %add3A, %get3A_7 : vector<10240x32xf32>
    %get3A_9 = arith.constant 0 : index
    %get3A_10 = arith.constant 0 : index
    %get3A_11 = vector.load %arg2[%get3A_9, %get3A_10] : memref<10240x1xf32, #tpu.memory_space<vmem>>, vector<10240x1xf32>
    %mul3A = vector.broadcast %get3A_11 : vector<10240x1xf32> to vector<10240x32xf32>
    %mul3A_12 = arith.mulf %add3A_8, %mul3A : vector<10240x32xf32>
    %get3A_13 = arith.constant 0 : index
    %get3A_14 = arith.constant 0 : index
    %get3A_15 = vector.load %arg3[%get3A_13, %get3A_14] : memref<1x32xf32, #tpu.memory_space<vmem>>, vector<1x32xf32>
    %add3A_16 = vector.broadcast %get3A_15 : vector<1x32xf32> to vector<10240x32xf32>
    %add3A_17 = arith.addf %mul3A_12, %add3A_16 : vector<10240x32xf32>
    %iota3A = tpu.iota {dimensions = array<i32: 0>} : vector<10240x1xi32>
    %lt3A = arith.constant 10000 : i32
    %lt3A_18 = vector.broadcast %lt3A : i32 to vector<10240x1xi32>
    %lt3A_19 = arith.cmpi slt, %iota3A, %lt3A_18 : vector<10240x1xi32>
    %jit3A = arith.constant 0.000000e+00 : f32
    %broadcast_in_dim3A = vector.shape_cast %lt3A_19 : vector<10240x1xi1> to vector<10240x1xi1>
    %broadcast_in_dim3A_20 = vector.broadcast %broadcast_in_dim3A : vector<10240x1xi1> to vector<10240x32xi1>
    %broadcast_in_dim3A_21 = vector.broadcast %jit3A : f32 to vector<10240x32xf32>
    %select_n3A = arith.select %broadcast_in_dim3A_20, %add3A_17, %broadcast_in_dim3A_21 : vector<10240x32xi1>, vector<10240x32xf32>
    %iota3A_22 = tpu.iota {dimensions = array<i32: 0>} : vector<64x10240xi32>
    %get3A_23 = arith.constant 0 : index
    %get3A_24 = arith.constant 0 : index
    %get3A_25 = vector.load %arg4[%get3A_23, %get3A_24] : memref<1x10240xi32, #tpu.memory_space<vmem>>, vector<1x10240xi32>
    %eq3A = vector.broadcast %get3A_25 : vector<1x10240xi32> to vector<64x10240xi32>
    %eq3A_26 = arith.cmpi eq, %eq3A, %iota3A_22 : vector<64x10240xi32>
    %convert_element_type3A = arith.extui %eq3A_26 : vector<64x10240xi1> to vector<64x10240xi32>
    %convert_element_type3A_27 = arith.sitofp %convert_element_type3A : vector<64x10240xi32> to vector<64x10240xf32>
    %dot_general3A = arith.constant dense<0.000000e+00> : vector<64x32xf32>
    %dot_general3A_28 = tpu.matmul %convert_element_type3A_27, %select_n3A, %dot_general3A {dimension_numbers = #tpu.dot_dimension_numbers<[1], [0], [0], [1], [0, 0, 1, 1], [], []>, precision = #tpu.contract_precision<fp32>, transpose_lhs_hint = false} : vector<64x10240xf32>, vector<10240x32xf32>, vector<64x32xf32> -> vector<64x32xf32>
    %get3A_29 = arith.constant 0 : index
    %get3A_30 = arith.constant 0 : index
    %get3A_31 = vector.load %arg5[%get3A_29, %get3A_30] : memref<32x32xf32, #tpu.memory_space<vmem>>, vector<32x32xf32>
    %dot_general3A_32 = arith.constant dense<0.000000e+00> : vector<64x32xf32>
    %dot_general3A_33 = tpu.matmul %dot_general3A_28, %get3A_31, %dot_general3A_32 {dimension_numbers = #tpu.dot_dimension_numbers<[1], [0], [0], [1], [0, 0, 1, 1], [], []>, transpose_lhs_hint = false} : vector<64x32xf32>, vector<32x32xf32>, vector<64x32xf32> -> vector<64x32xf32>
    %get3A_34 = arith.constant 0 : index
    %get3A_35 = arith.constant 0 : index
    %get3A_36 = vector.load %arg6[%get3A_34, %get3A_35] : memref<1x32xf32, #tpu.memory_space<vmem>>, vector<1x32xf32>
    %add3A_37 = vector.broadcast %get3A_36 : vector<1x32xf32> to vector<64x32xf32>
    %add3A_38 = arith.addf %dot_general3A_33, %add3A_37 : vector<64x32xf32>
    %get3A_39 = arith.constant 0 : index
    %get3A_40 = arith.constant 0 : index
    %get3A_41 = vector.load %arg7[%get3A_39, %get3A_40] : memref<1x32xf32, #tpu.memory_space<vmem>>, vector<1x32xf32>
    %get3A_42 = arith.constant 0 : index
    %get3A_43 = arith.constant 0 : index
    %get3A_44 = vector.load %arg8[%get3A_42, %get3A_43] : memref<1x32xf32, #tpu.memory_space<vmem>>, vector<1x32xf32>
    %reduce_sum3A = arith.constant dense<0.000000e+00> : vector<32xf32>
    %reduce_sum3A_45 = vector.multi_reduction <add>, %add3A_38, %reduce_sum3A [0] : vector<64x32xf32> to vector<32xf32>
    %broadcast_in_dim3A_46 = vector.shape_cast %reduce_sum3A_45 : vector<32xf32> to vector<1x32xf32>
    %div3A = arith.constant 6.400000e+01 : f32
    %div3A_47 = vector.broadcast %div3A : f32 to vector<1x32xf32>
    %div3A_48 = arith.divf %broadcast_in_dim3A_46, %div3A_47 : vector<1x32xf32>
    %sub3A = vector.broadcast %div3A_48 : vector<1x32xf32> to vector<64x32xf32>
    %sub3A_49 = arith.subf %add3A_38, %sub3A : vector<64x32xf32>
    %integer_pow3A = arith.mulf %sub3A_49, %sub3A_49 : vector<64x32xf32>
    %reduce_sum3A_50 = arith.constant dense<0.000000e+00> : vector<32xf32>
    %reduce_sum3A_51 = vector.multi_reduction <add>, %integer_pow3A, %reduce_sum3A_50 [0] : vector<64x32xf32> to vector<32xf32>
    %broadcast_in_dim3A_52 = vector.shape_cast %reduce_sum3A_51 : vector<32xf32> to vector<1x32xf32>
    %div3A_53 = arith.constant 6.400000e+01 : f32
    %div3A_54 = vector.broadcast %div3A_53 : f32 to vector<1x32xf32>
    %div3A_55 = arith.divf %broadcast_in_dim3A_52, %div3A_54 : vector<1x32xf32>
    %sub3A_56 = vector.broadcast %div3A_48 : vector<1x32xf32> to vector<64x32xf32>
    %sub3A_57 = arith.subf %add3A_38, %sub3A_56 : vector<64x32xf32>
    %add3A_58 = arith.constant 9.99999974E-6 : f32
    %add3A_59 = vector.broadcast %add3A_58 : f32 to vector<1x32xf32>
    %add3A_60 = arith.addf %div3A_55, %add3A_59 : vector<1x32xf32>
    %sqrt3A = math.sqrt %add3A_60 : vector<1x32xf32>
    %div3A_61 = vector.broadcast %sqrt3A : vector<1x32xf32> to vector<64x32xf32>
    %div3A_62 = arith.divf %sub3A_57, %div3A_61 : vector<64x32xf32>
    %mul3A_63 = vector.broadcast %get3A_41 : vector<1x32xf32> to vector<64x32xf32>
    %mul3A_64 = arith.mulf %div3A_62, %mul3A_63 : vector<64x32xf32>
    %add3A_65 = vector.broadcast %get3A_44 : vector<1x32xf32> to vector<64x32xf32>
    %add3A_66 = arith.addf %mul3A_64, %add3A_65 : vector<64x32xf32>
    %max3A = arith.constant 0.000000e+00 : f32
    %max3A_67 = vector.broadcast %max3A : f32 to vector<64x32xf32>
    %max3A_68 = arith.maximumf %add3A_66, %max3A_67 : vector<64x32xf32>
    %get3A_69 = arith.constant 0 : index
    %get3A_70 = arith.constant 0 : index
    %get3A_71 = vector.load %arg9[%get3A_69, %get3A_70] : memref<32x32xf32, #tpu.memory_space<vmem>>, vector<32x32xf32>
    %dot_general3A_72 = arith.constant dense<0.000000e+00> : vector<64x32xf32>
    %dot_general3A_73 = tpu.matmul %max3A_68, %get3A_71, %dot_general3A_72 {dimension_numbers = #tpu.dot_dimension_numbers<[1], [0], [0], [1], [0, 0, 1, 1], [], []>, transpose_lhs_hint = false} : vector<64x32xf32>, vector<32x32xf32>, vector<64x32xf32> -> vector<64x32xf32>
    %get3A_74 = arith.constant 0 : index
    %get3A_75 = arith.constant 0 : index
    %get3A_76 = vector.load %arg10[%get3A_74, %get3A_75] : memref<1x32xf32, #tpu.memory_space<vmem>>, vector<1x32xf32>
    %add3A_77 = vector.broadcast %get3A_76 : vector<1x32xf32> to vector<64x32xf32>
    %add3A_78 = arith.addf %dot_general3A_73, %add3A_77 : vector<64x32xf32>
    %get3A_79 = arith.constant 0 : index
    %get3A_80 = arith.constant 0 : index
    %get3A_81 = vector.load %arg11[%get3A_79, %get3A_80] : memref<1x32xf32, #tpu.memory_space<vmem>>, vector<1x32xf32>
    %get3A_82 = arith.constant 0 : index
    %get3A_83 = arith.constant 0 : index
    %get3A_84 = vector.load %arg12[%get3A_82, %get3A_83] : memref<1x32xf32, #tpu.memory_space<vmem>>, vector<1x32xf32>
    %reduce_sum3A_85 = arith.constant dense<0.000000e+00> : vector<32xf32>
    %reduce_sum3A_86 = vector.multi_reduction <add>, %add3A_78, %reduce_sum3A_85 [0] : vector<64x32xf32> to vector<32xf32>
    %broadcast_in_dim3A_87 = vector.shape_cast %reduce_sum3A_86 : vector<32xf32> to vector<1x32xf32>
    %div3A_88 = arith.constant 6.400000e+01 : f32
    %div3A_89 = vector.broadcast %div3A_88 : f32 to vector<1x32xf32>
    %div3A_90 = arith.divf %broadcast_in_dim3A_87, %div3A_89 : vector<1x32xf32>
    %sub3A_91 = vector.broadcast %div3A_90 : vector<1x32xf32> to vector<64x32xf32>
    %sub3A_92 = arith.subf %add3A_78, %sub3A_91 : vector<64x32xf32>
    %integer_pow3A_93 = arith.mulf %sub3A_92, %sub3A_92 : vector<64x32xf32>
    %reduce_sum3A_94 = arith.constant dense<0.000000e+00> : vector<32xf32>
    %reduce_sum3A_95 = vector.multi_reduction <add>, %integer_pow3A_93, %reduce_sum3A_94 [0] : vector<64x32xf32> to vector<32xf32>
    %broadcast_in_dim3A_96 = vector.shape_cast %reduce_sum3A_95 : vector<32xf32> to vector<1x32xf32>
    %div3A_97 = arith.constant 6.400000e+01 : f32
    %div3A_98 = vector.broadcast %div3A_97 : f32 to vector<1x32xf32>
    %div3A_99 = arith.divf %broadcast_in_dim3A_96, %div3A_98 : vector<1x32xf32>
    %sub3A_100 = vector.broadcast %div3A_90 : vector<1x32xf32> to vector<64x32xf32>
    %sub3A_101 = arith.subf %add3A_78, %sub3A_100 : vector<64x32xf32>
    %add3A_102 = arith.constant 9.99999974E-6 : f32
    %add3A_103 = vector.broadcast %add3A_102 : f32 to vector<1x32xf32>
    %add3A_104 = arith.addf %div3A_99, %add3A_103 : vector<1x32xf32>
    %sqrt3A_105 = math.sqrt %add3A_104 : vector<1x32xf32>
    %div3A_106 = vector.broadcast %sqrt3A_105 : vector<1x32xf32> to vector<64x32xf32>
    %div3A_107 = arith.divf %sub3A_101, %div3A_106 : vector<64x32xf32>
    %mul3A_108 = vector.broadcast %get3A_81 : vector<1x32xf32> to vector<64x32xf32>
    %mul3A_109 = arith.mulf %div3A_107, %mul3A_108 : vector<64x32xf32>
    %add3A_110 = vector.broadcast %get3A_84 : vector<1x32xf32> to vector<64x32xf32>
    %add3A_111 = arith.addf %mul3A_109, %add3A_110 : vector<64x32xf32>
    %max3A_112 = arith.constant 0.000000e+00 : f32
    %max3A_113 = vector.broadcast %max3A_112 : f32 to vector<64x32xf32>
    %max3A_114 = arith.maximumf %add3A_111, %max3A_113 : vector<64x32xf32>
    %get3A_115 = arith.constant 0 : index
    %get3A_116 = arith.constant 0 : index
    %get3A_117 = vector.load %arg13[%get3A_115, %get3A_116] : memref<32x1xf32, #tpu.memory_space<vmem>>, vector<32x1xf32>
    %dot_general3A_118 = arith.constant dense<0.000000e+00> : vector<64x1xf32>
    %dot_general3A_119 = tpu.matmul %max3A_114, %get3A_117, %dot_general3A_118 {dimension_numbers = #tpu.dot_dimension_numbers<[1], [0], [0], [1], [0, 0, 1, 1], [], []>, transpose_lhs_hint = false} : vector<64x32xf32>, vector<32x1xf32>, vector<64x1xf32> -> vector<64x1xf32>
    %get3A_120 = arith.constant 0 : index
    %get3A_121 = arith.constant 0 : index
    %get3A_122 = vector.load %arg14[%get3A_120, %get3A_121] : memref<1x1xf32, #tpu.memory_space<vmem>>, vector<1x1xf32>
    %add3A_123 = vector.broadcast %get3A_122 : vector<1x1xf32> to vector<64x1xf32>
    %add3A_124 = arith.addf %dot_general3A_119, %add3A_123 : vector<64x1xf32>
    %swap3A = arith.constant 0 : index
    %swap3A_125 = arith.constant 0 : index
    %swap3A_126 = vector.load %arg15[%swap3A, %swap3A_125] : memref<64x1xf32, #tpu.memory_space<vmem>>, vector<64x1xf32>
    tpu.vector_store %arg15[%swap3A, %swap3A_125], %add3A_124 {strides = array<i32>} : memref<64x1xf32, #tpu.memory_space<vmem>>, vector<64x1xf32>,
    return
  }
}

</mosaic_0001>

<sc_bundles>
// kernel: kernel.10.cloned.1.call-start
scs
__scs_entry_jumppad:
0x0: {  	(pc) =	sbr.rel $0x88, $3  }
0x1: {  	(tag) =	ssettag $0x0;
	lr =	simm.s32 $0x1  }
0x2: {  	[smem:$0x3F8A] =	sst lr;
	_ =	strace $0xD0000000  }
0x3: {  	_ = 	snop  }
0x4: {  	_ = 	snop  }
0x5: {  	_ = 	snop  }
0x6: {  	_ = 	snop  }
0x7: {  	_ = 	snop  }
__scs_overlays_trampoline_lowered:
0x8: {  	[smem:$0x3F99] =	sst s0  }
0x9: {  	[smem:$0x3F9A] =	sst s1  }
0xa: {  	[smem:$0x3F9B] =	sst s2  }
0xb: {  	[smem:$0x3F9C] =	sst s3  }
0xc: {  	[smem:$0x3F9D] =	sst s4  }
0xd: {  	[smem:$0x3F9E] =	sst s5  }
0xe: {  	[smem:$0x3F9F] =	sst s6  }
0xf: {  	[smem:$0x3FA0] =	sst s7  }
0x10: {  	[smem:$0x3FA1] =	sst s8  }
0x11: {  	[smem:$0x3FA2] =	sst s9;
	s0 =	simm.s32 @!p0 $0x0  }
0x12: {  	s1 =	sld [smem:$0x3F88];
	s0 =	simm.s32 @p0 $0x1  }
0x13: {  	[smem:$0x3FA3] =	sst s0;
	s0 =	simm.s32 @!p1 $0x0  }
0x14: {  	s2 =	sld [smem:$0x3F87];
	s0 =	simm.s32 @p1 $0x1  }
0x15: {  	[smem:$0x3FA4] =	sst s0;
	s0 =	simm.s32 @!p2 $0x0  }
0x16: {  	s3 =	sld [smem:$0x3FDB];
	s0 =	simm.s32 @p2 $0x1  }
0x17: {  	s4 =	simm.s32 $0x1BF5;
	[smem:$0x3FA6] =	sst s0  }
0x18: {  	s0 =	sld [smem:$0x3F89];
	_ =	swait.ge [sflag:s4], $0x0  }
0x19: {  	s7 =	sld [smem:$0x3F8A]  }
0x1a: {  	s8 =	sadd.s32 $0xFFFFE003, lr  }
0x1b: {  	s9 =	sadd.s32 $0xFFFFFEF7, lr;
	s5 =	simm.s32 $0xFFFFFFFF;
	p2 =	slt.u32 s8, $0xFFFFF086  }
0x1c: {  	p1 =	slt.u32 s9, $0xF7A;
	s5 =	simm.s32 @!p2 $0x0  }
0x1d: {  	s5 =	simm.s32 @p1 $0x1;
	p0 =	seq.s32 s7, s2  }
0x1e: {  	s7 =	smul.u32 @!p0 $0xF7A, s2;
	p2 =	seq.s32 @!p0 s5, $0x0  }
0x1f: {  	s9 =	smul.u32 $0xF7A, s1;
	s8 =	simm.s32 @!p0 $0x1BF5;
	p2 =	por !p2, p0  }
0x20: {  	[sflag:s8] =	ssyncset.s32 @!p0 $0xFFFFF086;
	s6 =	sadd.s32 @!p0 s3, s7;
	s7 =	simm.s32 @!p0 $0x108  }
0x21: {  	s3 =	sadd.s32 s3, s9;
	s6 =	sadd.s32 @!p0 $0x88, s6;
	s7 =	simm.s32 @p2 $0x1082  }
0x22: {  	[simem:s7], [sflag:s8] =	dma.local @!p0 [hbm:s6], $0xF7A  }
0x23: {  	s9 =	sor.u32 $0xD0000000, s2;
	s6 =	simm.s32 $0x108;
	_ =	swait.ge @!p0 [sflag:s8], $0x0  }
0x24: {  	s3 =	sadd.s32 $0x88, s3;
	s6 =	simm.s32 @!p1 $0x1082;
	[sflag:s4] =	ssyncset.s32 $0xFFFFF086  }
0x25: {  	[simem:s6], [sflag:s4] =	dma.local [hbm:s3], $0xF7A  }
0x26: {  	[smem:$0x3F8A] =	sst s1;
	(tag) =	ssettag s2;
	_ =	strace s9  }
0x27: {  	s1 =	sld [smem:$0x3F9A]  }
0x28: {  	s2 =	sld [smem:$0x3F9B]  }
0x29: {  	s4 =	sld [smem:$0x3F9D]  }
0x2a: {  	p0 =	seq.s32 s5, $0x0;
	s5 =	sld [smem:$0x3F9E]  }
0x2b: {  	s6 =	sld [smem:$0x3F9F]  }
0x2c: {  	s7 =	sld [smem:$0x3FA0]  }
0x2d: {  	s3 =	simm.s32 $0x108;
	s8 =	sld [smem:$0x3FA1]  }
0x2e: {  	s3 =	simm.s32 @!p0 $0x1082;
	s9 =	sld [smem:$0x3FA2]  }
0x2f: {  	lr =	sadd.s32 s0, s3;
	s0 =	sld [smem:$0x3F99]  }
0x30: {  	s3 =	sld [smem:$0x3F9C]  }
0x31: {  	[smem:$0x3FA5] =	sst s10  }
0x32: {  	s10 =	sld [smem:$0x3FA3];
	_ =	sdelay $0x3  }
0x33: {  	p0 =	seq.s32 s10, $0x1;
	s10 =	sld [smem:$0x3FA5];
	_ =	sdelay $0x3  }
0x34: {  	[smem:$0x3FA5] =	sst s10  }
0x35: {  	s10 =	sld [smem:$0x3FA4];
	_ =	sdelay $0x3  }
0x36: {  	p1 =	seq.s32 s10, $0x1;
	s10 =	sld [smem:$0x3FA5];
	_ =	sdelay $0x3  }
0x37: {  	[smem:$0x3FA5] =	sst s10  }
0x38: {  	s10 =	sld [smem:$0x3FA6]  }
0x39: {  	_ = 	snop;
	(pc) =	sbr.ind lr, $3  }
0x3a: {  	_ = 	snop  }
0x3b: {  	_ = 	snop  }
0x3c: {  	p2 =	seq.s32 s10, $0x1;
	s10 =	sld [smem:$0x3FA5]  }
0x3d: {  	_ =	shalt  }
0x3e: {  	_ =	shalt  }
0x3f: {  	_ =	shalt  }
0x40: {  	_ =	shalt  }
0x41: {  	_ =	shalt  }
0x42: {  	_ =	shalt  }
0x43: {  	_ =	shalt  }
0x44: {  	_ =	shalt  }
0x45: {  	_ =	shalt  }
0x46: {  	_ =	shalt  }
0x47: {  	_ =	shalt  }
0x48: {  	_ =	shalt  }
0x49: {  	_ =	shalt  }
0x4a: {  	_ =	shalt  }
0x4b: {  	_ =	shalt  }
0x4c: {  	_ =	shalt  }
0x4d: {  	_ =	shalt  }
0x4e: {  	_ =	shalt  }
0x4f: {  	_ =	shalt  }
0x50: {  	_ =	shalt  }
0x51: {  	_ =	shalt  }
0x52: {  	_ =	shalt  }
0x53: {  	_ =	shalt  }
0x54: {  	_ =	shalt  }
0x55: {  	_ =	shalt  }
0x56: {  	_ =	shalt  }
0x57: {  	_ =	shalt  }
0x58: {  	_ =	shalt  }
0x59: {  	_ =	shalt  }
0x5a: {  	_ =	shalt  }
0x5b: {  	_ =	shalt  }
0x5c: {  	_ =	shalt  }
0x5d: {  	_ =	shalt  }
0x5e: {  	_ =	shalt  }
0x5f: {  	_ =	shalt  }
0x60: {  	_ =	shalt  }
0x61: {  	_ =	shalt  }
0x62: {  	_ =	shalt  }
0x63: {  	_ =	shalt  }
0x64: {  	_ =	shalt  }
0x65: {  	_ =	shalt  }
0x66: {  	_ =	shalt  }
0x67: {  	_ =	shalt  }
0x68: {  	_ =	shalt  }
0x69: {  	_ =	shalt  }
0x6a: {  	_ =	shalt  }
0x6b: {  	_ =	shalt  }
0x6c: {  	_ =	shalt  }
0x6d: {  	_ =	shalt  }
0x6e: {  	_ =	shalt  }
0x6f: {  	_ =	shalt  }
0x70: {  	_ =	shalt  }
0x71: {  	_ =	shalt  }
0x72: {  	_ =	shalt  }
0x73: {  	_ =	shalt  }
0x74: {  	_ =	shalt  }
0x75: {  	_ =	shalt  }
0x76: {  	_ =	shalt  }
0x77: {  	_ =	shalt  }
0x78: {  	_ =	shalt  }
0x79: {  	_ =	shalt  }
0x7a: {  	_ =	shalt  }
0x7b: {  	_ =	shalt  }
0x7c: {  	_ =	shalt  }
0x7d: {  	_ =	shalt  }
0x7e: {  	_ =	shalt  }
0x7f: {  	_ =	shalt  }
0x80: {  	_ =	shalt  }
0x81: {  	_ =	shalt  }
0x82: {  	_ =	shalt  }
0x83: {  	_ =	shalt  }
0x84: {  	_ =	shalt  }
0x85: {  	_ =	shalt  }
0x86: {  	_ =	shalt  }
0x87: {  	_ =	shalt  }
.Lfunc_end0:
.L_simem_size_0:
called_computation_lowered:
.L_overlay_start_0:
0x88: {  	s2 =	sld [smem:$0x3FD9]  }
0x89: {  	s3 =	sld [smem:$0x3FFE];
	_ =	sdelay $0x1  }
0x8a: {  	s1 =	srdreg.scid  }
0x8b: {  	s0 =	sand.u32 $0x1, s1  }
0x8c: {  	s16 =	sshll.u32 s0, $0xA;
	s2 =	sadd.s32 s3, s2  }
0x8d: {  	s2 =	sadd.s32 s2, s16  }
0x8e: {  	[smem:$0x3FB1] =	sst s2  }
0x8f: {  	_ = 	snop  }
0x90: {  	(tm) =	ssettm $0x1  }
0x91: {  	s17 =	sld [smem:$0x3FFB];
	_ =	sdelay $0x3  }
0x92: {  	_ =	strace s17  }
0x93: {  	s2 =	sld [smem:$0x3FFC];
	_ =	sdelay $0x3  }
0x94: {  	_ =	strace s2  }
0x95: {  	s2 =	sld [smem:$0x3FFD];
	_ =	sdelay $0x3  }
0x96: {  	_ =	strace s2  }
0x97: {  	_ =	strace $0x8FFFFFFF  }
0x98: {  	s18 =	sld [smem:$0x3FDB];
	_ =	sdelay $0x1  }
0x99: {  	s19 =	simm.s32 $_scs_section_size  }
0x9a: {  	s4 =	simm.s32 $_size__tile_overlayer_lowered;
	s5 =	simm.s32 $_tile_overlayer_lowered  }
0x9b: {  	s22 =	simm.s32 $0x1BFF;
	s21 =	sshll.u32 s5, $0x1;
	s2 =	sadd.s32 s19, s18  }
0x9c: {  	s6 =	simm.s32 $0x0;
	s20 =	sshll.u32 s4, $0x1;
	s4 =	sadd.s32 s21, s2  }
0x9d: {  	[timem:s6], [sflag:s22] =	dma.local [hbm:s4], s20  }
0x9e: {  	_ =	swait.ge [sflag:s22], s20  }
0x9f: {  	s3 =	ssub.s32 $0x0, s20;
	[sflag:s22] =	ssyncset.done $0x0  }
0xa0: {  	[sflag:s22] =	ssyncadd.s32 s3;
	_ =	sdelay $0x1  }
0xa1: {  	s23 =	simm.s32 $0x1B8B  }
0xa2: {  	_ =	swait.ge [sflag:s23], $0x1  }
0xa3: {  	[sflag:s23] =	ssyncset.done $0x0  }
0xa4: {  	s25 =	simm.s32 $0x1B8E;
	s24 =	sld [smem:$0x3FFE];
	[sflag:s23] =	ssyncadd.s32 $0xFFFFFFFF  }
0xa5: {  	s26 =	simm.s32 $execute0_lowered;
	[smem:$0x3FD2] =	sst s25  }
0xa6: {  	s4 =	sshll.u32 s26, $0x1;
	_ =	strace $0x80000046;
	[dreg:$0x1] =	wrdreg $0xFFFFFFFF  }
0xa7: {  	s28 =	simm.s32 $_size_execute0_lowered;
	s2 =	sadd.s32 s2, s4;
	[dreg:$0x0] =	wrdreg $0x0  }
0xa8: {  	s4 =	sshll.u32 s28, $0x1;
	[dreg:$0x2] =	wrdreg s2  }
0xa9: {  	[dreg:$0x3] =	wrdreg s4  }
0xaa: {  	[dreg:$0x4] =	wrdreg $0xC0  }
0xab: {  	_ =	task [dreg:s6], $0x5FFFF  }
0xac: {  	[dreg:$0x1] =	wrdreg $0xFFFFFFFF  }
0xad: {  	[dreg:$0x0] =	wrdreg $0x60  }
0xae: {  	[dreg:$0x2] =	wrdreg s24  }
0xaf: {  	[dreg:$0x3] =	wrdreg $0x4800  }
0xb0: {  	[dreg:$0x4] =	wrdreg $0x9  }
0xb1: {  	_ =	task.clear_ibuf [dreg:s6], $0x5FFFF;
	_ =	strace $0x90000046  }
0xb2: {  	s29 =	simm.s32 $0x9;
	_ =	strace $0x80000048  }
0xb3: {  	_ =	swait.ge [sflag:s29], $0x1  }
0xb4: {  	[sflag:s29] =	ssyncadd.s32 $0xFFFFFFFF  }
0xb5: {  	_ =	strace $0x90000048  }
0xb6: {  	_ =	sfence  }
0xb7: {  	s30 =	sld [smem:$0x0];
	_ =	sdelay $0x2  }
0xb8: {  	s31 =	sshll.u32 s1, $0xD;
	s1 =	sshrl.u32 s1, $0x2  }
0xb9: {  	s3 =	sand.u32 $0x4000, s31;
	s1 =	sadd.s32 s1, s30  }
0xba: {  	s0 =	sor.u32 s3, s0;
	s1 =	sshll.u32 s1, $0x11  }
0xbb: {  	s0 =	sor.u32 s1, s0  }
0xbc: {  	s0 =	sadd.s32 $0x8F2B, s0  }
0xbd: {  	[sflag:s0] =	ssyncadd.remote.s32 $0x1  }
0xbe: {  	_ =	sfence.sel $0xFFFF  }
0xbf: {  	[dreg:$0x0] =	wrdreg $0xFFFFFFFF;
	(pc) =	sbr.abs _section_cstart, $3  }
0xc0: {  	[dreg:$0x1] =	wrdreg $0xFFFFFFFF  }
0xc1: {  	_ =	task.clear_ibuf [dreg:s6], $0x2FFFF;
	_ =	strace $0x9FFFFFFF  }
0xc2: {  	(tm) =	ssettm $0x7FFFFFFF  }
0xc3: {  	_ =	shalt  }
tec
execute0_lowered:
.L_overlay_start_1:
0x0: {  	(tag) =	ssettag $0x1  }
0x1: {  	s0 =	srdreg.scid  }
0x2: {  	s6 =	rddreg [dreg:$0x0];
	s5 =	sand.u32 $0x1, s0  }
0x3: {  	s0 =	stileid.u32;
	s4 =	smul.u32 $0x27800, s5  }
0x4: {  	s2 =	rddreg [dreg:$0x1];
	s7 =	smul.u32 $0x2780, s0  }
0x5: {  	s1 =	rddreg [dreg:$0x2];
	s3 =	simm.s32 $0x0;
	s26 =	smul.u32 $0x1400, s0  }
0x6: {  	[smem:$0x7FF] =	sst s3;
	s9 =	smul.u32 $0x280, s0  }
0x7: {  	_ =	strace $0x80000047;
	s10 =	ssub.s32 $0x2, s5;
	s13 =	smul.u32 $0x2800, s5  }
0x8: {  	s31 =	sshll.u32 s0, $0x6;
	s12 =	sshrl.u32 s10, $0x1;
	s4 =	sadd.s32 s7, s4  }
0x9: {  	s11 =	sshrl.u32 s26, $0x3;
	s29 =	ssub.s32 s10, s12;
	s30 =	sadd.s32 s26, s2  }
0xa: {  	s10 =	simm.s32 $0x1;
	s4 =	sshrl.u32 s4, $0x3;
	s28 =	sadd.s32 s11, s6  }
0xb: {  	s7 =	smax.u32 s29, $0x1;
	s11 =	sor.u32 $0x1C01, s31;
	s12 =	sshrl.u32 s30, $0x3  }
0xc: {  	s8 =	sadd.s32 s4, s6;
	s4 =	sadd.s32 $0x10000, s6;
	s6 =	sadd.s32 s9, s6  }
0xd: {  	s5 =	sadd.s32 $0xD800, s28;
	s9 =	simm.s32 $0x80;
	s6 =	sadd.s32 s13, s6  }
0xe: {  	s8 =	sadd.s32 $0x3A00, s8;
	s13 =	simm.s32 $0x0;
	s6 =	sadd.s32 $0x10200, s6  }
.LBB2_1:
0xf: {  	[tilespmem:s9], [sflag:$0x1] =	stream.linear.gather [hbm4b:s4+s3], $0x400, $0x38;
	[tilespmem:$0x1880] =	vst v63  }
0x10: {  	_ =	swait.ge [sflag:s10], $0x400  }
0x11: {  	[sflag:s10] =	ssyncset.done $0x0  }
0x12: {  	[sflag:s10] =	ssyncadd.s32 $0xFFFFFC00  }
0x13: {  	[spmem:s12], [sflag:s11] =	dma.local [hbm:s5], $0x280  }
0x14: {  	_ =	swait.ge [sflag:s10], $0x280  }
0x15: {  	[sflag:s10] =	ssyncset.done $0x0  }
0x16: {  	[sflag:s10] =	ssyncadd.s32 $0xFFFFFD80  }
0x17: {  	s14 =	sadd.s32 $0x0, s8;
	[bflag:$0x0] =	sbarrier.arrive $0xFFFF  }
0x18: {  	[tilespmem:s3], [sflag:$0x1] =	stream.linear.gather [hbm4b:s14+s3], $0x80, $0x38;
	[tilespmem:$0x1880] =	vst v63  }
0x19: {  	_ =	swait.ge [sflag:s10], $0x80  }
0x1a: {  	[sflag:s10] =	ssyncset.done $0x0  }
0x1b: {  	[sflag:s10] =	ssyncadd.s32 $0xFFFFFF80  }
0x1c: {  	[spmem:s2] =	stream.indirect.scatter.add.f32 [tilespmem:s9], [sflag:$0x1], $0x8, s3, s9, $0xb8;
	[tilespmem:$0x1880] =	vst v63  }
0x1d: {  	_ =	swait.ge [sflag:s10], $0x400  }
0x1e: {  	s15 =	simm.s32 $0x20;
	s14 =	simm.s32 $0x10;
	[sflag:s10] =	ssyncset.done $0x0  }
.LBB2_2:
0x1f: {  	s16 =	sadd.s32 s14, s8  }
0x20: {  	[sflag:s10] =	ssyncadd.s32 $0xFFFFFC00;
	s14 =	smov.u32 s15;
	s17 =	sadd.s32 $0x10, s15  }
0x21: {  	[tilespmem:s3], [sflag:$0x1] =	stream.linear.gather [hbm4b:s16+s3], $0x80, $0x38;
	[tilespmem:$0x1880] =	vst v63  }
0x22: {  	p0 =	sne.s32 s15, $0x4E0;
	_ =	swait.ge [sflag:s10], $0x80  }
.Ltmp0:
0x23: {  	[sflag:s10] =	ssyncset.done $0x0;
	(pc) =	sbr.rel @p0 .LBB2_2-.Ltmp0, $4  }
0x24: {  	[sflag:s10] =	ssyncadd.s32 $0xFFFFFF80  }
0x25: {  	[spmem:s2] =	stream.indirect.scatter.add.f32 [tilespmem:s9], [sflag:$0x1], $0x8, s3, s9, $0xb8;
	[tilespmem:$0x1880] =	vst v63  }
0x26: {  	_ =	swait.ge [sflag:s10], $0x400  }
0x27: {  	s15 =	smov.u32 s17;
	[sflag:s10] =	ssyncset.done $0x0  }
0x28: {  	s14 =	sadd.s32 s14, s8;
	[sflag:s10] =	ssyncadd.s32 $0xFFFFFC00  }
0x29: {  	[tilespmem:s3], [sflag:$0x1] =	stream.linear.gather [hbm4b:s14+s3], $0x80, $0x38;
	[tilespmem:$0x1880] =	vst v63  }
0x2a: {  	_ =	swait.ge [sflag:s10], $0x80  }
0x2b: {  	[sflag:s10] =	ssyncset.done $0x0  }
0x2c: {  	[sflag:s10] =	ssyncadd.s32 $0xFFFFFF80  }
0x2d: {  	[spmem:s2] =	stream.indirect.scatter.add.f32 [tilespmem:s9], [sflag:$0x1], $0x8, s3, s9, $0xb8;
	[tilespmem:$0x1880] =	vst v63  }
0x2e: {  	_ =	swait.ge [sflag:s10], $0x400  }
0x2f: {  	s13 =	sadd.s32 $0x1, s13;
	[sflag:s10] =	ssyncset.done $0x0  }
0x30: {  	p0 =	sne.s32 s13, s7;
	[sflag:s10] =	ssyncadd.s32 $0xFFFFFC00  }
.Ltmp1:
0x31: {  	[bflag:$0x0] =	sbarrier.arrive $0xFFFF;
	(pc) =	sbr.rel @p0 .LBB2_1-.Ltmp1, $4  }
0x32: {  	[hbm:s6], [sflag:s11] =	dma.local [spmem:s12], $0x280  }
0x33: {  	_ =	swait.ge [sflag:s10], $0x280  }
0x34: {  	[sflag:s10] =	ssyncset.done $0x0  }
0x35: {  	[sflag:s10] =	ssyncadd.s32 $0xFFFFFD80  }
0x36: {  	_ =	sfence.sel $0x180000  }
0x37: {  	[bflag:$0x0] =	sbarrier.arrive $0xFFFF  }
0x38: {  	p0 =	sne.s32 s0, $0x0;
	_ =	strace $0x90000047  }
0x39: {  	s0 =	sadd.s32 @!p0 $0x100000, s1;
	[bflag:$0x2] =	sbarrier.arrive $0xFFFF  }
0x3a: {  	[sflag:s0] =	ssyncadd.tile.s32 @!p0 $0x1;
	_ =	shalt  }
.Lfunc_end2:
_tile_overlayer_lowered:
.L_overlay_start_2:
0x3b: {  	(tag) =	ssettag $0x2  }
0x3c: {  	s0 =	rddreg [dreg:$0x0];
	s2 =	stileid.u32  }
0x3d: {  	s1 =	rddreg [dreg:$0x1];
	p0 =	sne.s32 s2, $0x0  }
0x3e: {  	s3 =	rddreg [dreg:$0x2];
	[bflag:$0x3] =	sbarrier.arrive $0xFFFF;
	s2 =	simm.s32 @!p0 $0x1C01  }
0x3f: {  	[timem:s3], [sflag:s2] =	dma.local @!p0 [hbm:s0], s1  }
0x40: {  	s0 =	simm.s32 @!p0 $0x1  }
0x41: {  	_ =	swait.ge @!p0 [sflag:s0], s1  }
0x42: {  	s1 =	ssub.s32 @!p0 $0x0, s1;
	[sflag:s0] =	ssyncset.done @!p0 $0x0  }
0x43: {  	[sflag:s0] =	ssyncadd.s32 @!p0 s1  }
0x44: {  	[bflag:$0x3] =	sbarrier.arrive $0xFFFF  }
0x45: {  	_ =	shalt  }

// kernel: kernel.13.cloned.1.call-start
scs
__scs_entry_jumppad:
0x0: {  	(pc) =	sbr.rel $0x88, $3  }
0x1: {  	(tag) =	ssettag $0x0;
	lr =	simm.s32 $0x1  }
0x2: {  	[smem:$0x3F8A] =	sst lr;
	_ =	strace $0xD0000000  }
0x3: {  	_ = 	snop  }
0x4: {  	_ = 	snop  }
0x5: {  	_ = 	snop  }
0x6: {  	_ = 	snop  }
0x7: {  	_ = 	snop  }
__scs_overlays_trampoline_lowered:
0x8: {  	[smem:$0x3F99] =	sst s0  }
0x9: {  	[smem:$0x3F9A] =	sst s1  }
0xa: {  	[smem:$0x3F9B] =	sst s2  }
0xb: {  	[smem:$0x3F9C] =	sst s3  }
0xc: {  	[smem:$0x3F9D] =	sst s4  }
0xd: {  	[smem:$0x3F9E] =	sst s5  }
0xe: {  	[smem:$0x3F9F] =	sst s6  }
0xf: {  	[smem:$0x3FA0] =	sst s7  }
0x10: {  	[smem:$0x3FA1] =	sst s8  }
0x11: {  	[smem:$0x3FA2] =	sst s9;
	s0 =	simm.s32 @!p0 $0x0  }
0x12: {  	s1 =	sld [smem:$0x3F88];
	s0 =	simm.s32 @p0 $0x1  }
0x13: {  	[smem:$0x3FA3] =	sst s0;
	s0 =	simm.s32 @!p1 $0x0  }
0x14: {  	s2 =	sld [smem:$0x3F87];
	s0 =	simm.s32 @p1 $0x1  }
0x15: {  	[smem:$0x3FA4] =	sst s0;
	s0 =	simm.s32 @!p2 $0x0  }
0x16: {  	s3 =	sld [smem:$0x3FDB];
	s0 =	simm.s32 @p2 $0x1  }
0x17: {  	s4 =	simm.s32 $0x1BF5;
	[smem:$0x3FA6] =	sst s0  }
0x18: {  	s0 =	sld [smem:$0x3F89];
	_ =	swait.ge [sflag:s4], $0x0  }
0x19: {  	s7 =	sld [smem:$0x3F8A]  }
0x1a: {  	s8 =	sadd.s32 $0xFFFFE003, lr  }
0x1b: {  	s9 =	sadd.s32 $0xFFFFFEF7, lr;
	s5 =	simm.s32 $0xFFFFFFFF;
	p2 =	slt.u32 s8, $0xFFFFF086  }
0x1c: {  	p1 =	slt.u32 s9, $0xF7A;
	s5 =	simm.s32 @!p2 $0x0  }
0x1d: {  	s5 =	simm.s32 @p1 $0x1;
	p0 =	seq.s32 s7, s2  }
0x1e: {  	s7 =	smul.u32 @!p0 $0xF7A, s2;
	p2 =	seq.s32 @!p0 s5, $0x0  }
0x1f: {  	s9 =	smul.u32 $0xF7A, s1;
	s8 =	simm.s32 @!p0 $0x1BF5;
	p2 =	por !p2, p0  }
0x20: {  	[sflag:s8] =	ssyncset.s32 @!p0 $0xFFFFF086;
	s6 =	sadd.s32 @!p0 s3, s7;
	s7 =	simm.s32 @!p0 $0x108  }
0x21: {  	s3 =	sadd.s32 s3, s9;
	s6 =	sadd.s32 @!p0 $0x88, s6;
	s7 =	simm.s32 @p2 $0x1082  }
0x22: {  	[simem:s7], [sflag:s8] =	dma.local @!p0 [hbm:s6], $0xF7A  }
0x23: {  	s9 =	sor.u32 $0xD0000000, s2;
	s6 =	simm.s32 $0x108;
	_ =	swait.ge @!p0 [sflag:s8], $0x0  }
0x24: {  	s3 =	sadd.s32 $0x88, s3;
	s6 =	simm.s32 @!p1 $0x1082;
	[sflag:s4] =	ssyncset.s32 $0xFFFFF086  }
0x25: {  	[simem:s6], [sflag:s4] =	dma.local [hbm:s3], $0xF7A  }
0x26: {  	[smem:$0x3F8A] =	sst s1;
	(tag) =	ssettag s2;
	_ =	strace s9  }
0x27: {  	s1 =	sld [smem:$0x3F9A]  }
0x28: {  	s2 =	sld [smem:$0x3F9B]  }
0x29: {  	s4 =	sld [smem:$0x3F9D]  }
0x2a: {  	p0 =	seq.s32 s5, $0x0;
	s5 =	sld [smem:$0x3F9E]  }
0x2b: {  	s6 =	sld [smem:$0x3F9F]  }
0x2c: {  	s7 =	sld [smem:$0x3FA0]  }
0x2d: {  	s3 =	simm.s32 $0x108;
	s8 =	sld [smem:$0x3FA1]  }
0x2e: {  	s3 =	simm.s32 @!p0 $0x1082;
	s9 =	sld [smem:$0x3FA2]  }
0x2f: {  	lr =	sadd.s32 s0, s3;
	s0 =	sld [smem:$0x3F99]  }
0x30: {  	s3 =	sld [smem:$0x3F9C]  }
0x31: {  	[smem:$0x3FA5] =	sst s10  }
0x32: {  	s10 =	sld [smem:$0x3FA3];
	_ =	sdelay $0x3  }
0x33: {  	p0 =	seq.s32 s10, $0x1;
	s10 =	sld [smem:$0x3FA5];
	_ =	sdelay $0x3  }
0x34: {  	[smem:$0x3FA5] =	sst s10  }
0x35: {  	s10 =	sld [smem:$0x3FA4];
	_ =	sdelay $0x3  }
0x36: {  	p1 =	seq.s32 s10, $0x1;
	s10 =	sld [smem:$0x3FA5];
	_ =	sdelay $0x3  }
0x37: {  	[smem:$0x3FA5] =	sst s10  }
0x38: {  	s10 =	sld [smem:$0x3FA6]  }
0x39: {  	_ = 	snop;
	(pc) =	sbr.ind lr, $3  }
0x3a: {  	_ = 	snop  }
0x3b: {  	_ = 	snop  }
0x3c: {  	p2 =	seq.s32 s10, $0x1;
	s10 =	sld [smem:$0x3FA5]  }
0x3d: {  	_ =	shalt  }
0x3e: {  	_ =	shalt  }
0x3f: {  	_ =	shalt  }
0x40: {  	_ =	shalt  }
0x41: {  	_ =	shalt  }
0x42: {  	_ =	shalt  }
0x43: {  	_ =	shalt  }
0x44: {  	_ =	shalt  }
0x45: {  	_ =	shalt  }
0x46: {  	_ =	shalt  }
0x47: {  	_ =	shalt  }
0x48: {  	_ =	shalt  }
0x49: {  	_ =	shalt  }
0x4a: {  	_ =	shalt  }
0x4b: {  	_ =	shalt  }
0x4c: {  	_ =	shalt  }
0x4d: {  	_ =	shalt  }
0x4e: {  	_ =	shalt  }
0x4f: {  	_ =	shalt  }
0x50: {  	_ =	shalt  }
0x51: {  	_ =	shalt  }
0x52: {  	_ =	shalt  }
0x53: {  	_ =	shalt  }
0x54: {  	_ =	shalt  }
0x55: {  	_ =	shalt  }
0x56: {  	_ =	shalt  }
0x57: {  	_ =	shalt  }
0x58: {  	_ =	shalt  }
0x59: {  	_ =	shalt  }
0x5a: {  	_ =	shalt  }
0x5b: {  	_ =	shalt  }
0x5c: {  	_ =	shalt  }
0x5d: {  	_ =	shalt  }
0x5e: {  	_ =	shalt  }
0x5f: {  	_ =	shalt  }
0x60: {  	_ =	shalt  }
0x61: {  	_ =	shalt  }
0x62: {  	_ =	shalt  }
0x63: {  	_ =	shalt  }
0x64: {  	_ =	shalt  }
0x65: {  	_ =	shalt  }
0x66: {  	_ =	shalt  }
0x67: {  	_ =	shalt  }
0x68: {  	_ =	shalt  }
0x69: {  	_ =	shalt  }
0x6a: {  	_ =	shalt  }
0x6b: {  	_ =	shalt  }
0x6c: {  	_ =	shalt  }
0x6d: {  	_ =	shalt  }
0x6e: {  	_ =	shalt  }
0x6f: {  	_ =	shalt  }
0x70: {  	_ =	shalt  }
0x71: {  	_ =	shalt  }
0x72: {  	_ =	shalt  }
0x73: {  	_ =	shalt  }
0x74: {  	_ =	shalt  }
0x75: {  	_ =	shalt  }
0x76: {  	_ =	shalt  }
0x77: {  	_ =	shalt  }
0x78: {  	_ =	shalt  }
0x79: {  	_ =	shalt  }
0x7a: {  	_ =	shalt  }
0x7b: {  	_ =	shalt  }
0x7c: {  	_ =	shalt  }
0x7d: {  	_ =	shalt  }
0x7e: {  	_ =	shalt  }
0x7f: {  	_ =	shalt  }
0x80: {  	_ =	shalt  }
0x81: {  	_ =	shalt  }
0x82: {  	_ =	shalt  }
0x83: {  	_ =	shalt  }
0x84: {  	_ =	shalt  }
0x85: {  	_ =	shalt  }
0x86: {  	_ =	shalt  }
0x87: {  	_ =	shalt  }
.Lfunc_end0:
.L_simem_size_0:
called_computation.1_lowered:
.L_overlay_start_0:
0x88: {  	s2 =	sld [smem:$0x3FD9]  }
0x89: {  	s3 =	sld [smem:$0x3FFE];
	_ =	sdelay $0x1  }
0x8a: {  	s1 =	srdreg.scid  }
0x8b: {  	s0 =	sand.u32 $0x1, s1  }
0x8c: {  	s16 =	sshll.u32 s0, $0xA;
	s2 =	sadd.s32 s3, s2  }
0x8d: {  	s2 =	sadd.s32 s2, s16  }
0x8e: {  	[smem:$0x3FB1] =	sst s2  }
0x8f: {  	_ = 	snop  }
0x90: {  	(tm) =	ssettm $0x1  }
0x91: {  	s17 =	sld [smem:$0x3FFB];
	_ =	sdelay $0x3  }
0x92: {  	_ =	strace s17  }
0x93: {  	s2 =	sld [smem:$0x3FFC];
	_ =	sdelay $0x3  }
0x94: {  	_ =	strace s2  }
0x95: {  	s2 =	sld [smem:$0x3FFD];
	_ =	sdelay $0x3  }
0x96: {  	_ =	strace s2  }
0x97: {  	_ =	strace $0x8FFFFFFF  }
0x98: {  	s18 =	sld [smem:$0x3FDB];
	_ =	sdelay $0x1  }
0x99: {  	s19 =	simm.s32 $_scs_section_size  }
0x9a: {  	s4 =	simm.s32 $_size__tile_overlayer_lowered;
	s5 =	simm.s32 $_tile_overlayer_lowered  }
0x9b: {  	s22 =	simm.s32 $0x1BFF;
	s21 =	sshll.u32 s5, $0x1;
	s2 =	sadd.s32 s19, s18  }
0x9c: {  	s6 =	simm.s32 $0x0;
	s20 =	sshll.u32 s4, $0x1;
	s4 =	sadd.s32 s21, s2  }
0x9d: {  	[timem:s6], [sflag:s22] =	dma.local [hbm:s4], s20  }
0x9e: {  	_ =	swait.ge [sflag:s22], s20  }
0x9f: {  	s3 =	ssub.s32 $0x0, s20;
	[sflag:s22] =	ssyncset.done $0x0  }
0xa0: {  	[sflag:s22] =	ssyncadd.s32 s3;
	_ =	sdelay $0x1  }
0xa1: {  	s23 =	simm.s32 $0x1B8B  }
0xa2: {  	_ =	swait.ge [sflag:s23], $0x1  }
0xa3: {  	[sflag:s23] =	ssyncset.done $0x0  }
0xa4: {  	s25 =	simm.s32 $0x1B8E;
	s24 =	sld [smem:$0x3FFE];
	[sflag:s23] =	ssyncadd.s32 $0xFFFFFFFF  }
0xa5: {  	s26 =	simm.s32 $execute0_lowered;
	[smem:$0x3FD2] =	sst s25  }
0xa6: {  	s4 =	sshll.u32 s26, $0x1;
	_ =	strace $0x80000049;
	[dreg:$0x1] =	wrdreg $0xFFFFFFFF  }
0xa7: {  	s28 =	simm.s32 $_size_execute0_lowered;
	s2 =	sadd.s32 s2, s4;
	[dreg:$0x0] =	wrdreg $0x0  }
0xa8: {  	s4 =	sshll.u32 s28, $0x1;
	[dreg:$0x2] =	wrdreg s2  }
0xa9: {  	[dreg:$0x3] =	wrdreg s4  }
0xaa: {  	[dreg:$0x4] =	wrdreg $0xC0  }
0xab: {  	_ =	task [dreg:s6], $0x5FFFF  }
0xac: {  	[dreg:$0x1] =	wrdreg $0xFFFFFFFF  }
0xad: {  	[dreg:$0x0] =	wrdreg $0x60  }
0xae: {  	[dreg:$0x2] =	wrdreg s24  }
0xaf: {  	[dreg:$0x3] =	wrdreg $0x11000  }
0xb0: {  	[dreg:$0x4] =	wrdreg $0x9  }
0xb1: {  	_ =	task.clear_ibuf [dreg:s6], $0x5FFFF;
	_ =	strace $0x90000049  }
0xb2: {  	s29 =	simm.s32 $0x9;
	_ =	strace $0x8000004B  }
0xb3: {  	_ =	swait.ge [sflag:s29], $0x1  }
0xb4: {  	[sflag:s29] =	ssyncadd.s32 $0xFFFFFFFF  }
0xb5: {  	_ =	strace $0x9000004B  }
0xb6: {  	_ =	sfence  }
0xb7: {  	s30 =	sld [smem:$0x0];
	_ =	sdelay $0x2  }
0xb8: {  	s31 =	sshll.u32 s1, $0xD;
	s1 =	sshrl.u32 s1, $0x2  }
0xb9: {  	s3 =	sand.u32 $0x4000, s31;
	s1 =	sadd.s32 s1, s30  }
0xba: {  	s0 =	sor.u32 s3, s0;
	s1 =	sshll.u32 s1, $0x11  }
0xbb: {  	s0 =	sor.u32 s1, s0  }
0xbc: {  	s0 =	sadd.s32 $0x8F2B, s0  }
0xbd: {  	[sflag:s0] =	ssyncadd.remote.s32 $0x1  }
0xbe: {  	_ =	sfence.sel $0xFFFF  }
0xbf: {  	[dreg:$0x0] =	wrdreg $0xFFFFFFFF;
	(pc) =	sbr.abs _section_cstart, $3  }
0xc0: {  	[dreg:$0x1] =	wrdreg $0xFFFFFFFF  }
0xc1: {  	_ =	task.clear_ibuf [dreg:s6], $0x2FFFF;
	_ =	strace $0x9FFFFFFF  }
0xc2: {  	(tm) =	ssettm $0x7FFFFFFF  }
0xc3: {  	_ =	shalt  }
tec
execute0_lowered:
.L_overlay_start_1:
0x0: {  	(tag) =	ssettag $0x1  }
0x1: {  	s5 =	rddreg [dreg:$0x0];
	s0 =	srdreg.scid  }
0x2: {  	s2 =	rddreg [dreg:$0x1];
	s1 =	stileid.u32;
	s3 =	simm.s32 $0x0  }
0x3: {  	s13 =	simm.s32 $0x80;
	s14 =	simm.s32 $0x100;
	s7 =	smul.u32 $0x2780, s1  }
0x4: {  	s6 =	sand.u32 $0x1, s0;
	s0 =	rddreg [dreg:$0x2];
	s8 =	smul.u32 $0x5000, s1  }
0x5: {  	s15 =	simm.s32 $0x0;
	[smem:$0x7FF] =	sst s3;
	s9 =	smul.u32 $0xA00, s1  }
0x6: {  	s31 =	sshll.u32 s1, $0x6;
	s4 =	smul.u32 $0x27800, s6;
	_ =	strace $0x8000004A  }
0x7: {  	s10 =	smul.u32 $0xA000, s6;
	s6 =	ssub.s32 $0x2, s6;
	s29 =	sshrl.u32 s8, $0x3  }
0x8: {  	s30 =	sshrl.u32 s6, $0x1;
	s12 =	sadd.s32 s8, s2;
	s7 =	sadd.s32 s7, s4  }
0x9: {  	s4 =	sadd.s32 $0x1F000, s5;
	s9 =	sadd.s32 s9, s10;
	s10 =	ssub.s32 s6, s30  }
0xa: {  	s6 =	sor.u32 $0x1C01, s31;
	s7 =	sshrl.u32 s7, $0x3;
	s9 =	sadd.s32 s9, s5  }
0xb: {  	s8 =	smax.u32 s10, $0x1;
	s11 =	sadd.s32 s7, s5;
	s7 =	sadd.s32 s29, s5  }
0xc: {  	s5 =	sadd.s32 $0x29000, s7;
	s7 =	sadd.s32 $0x33000, s9;
	s9 =	sadd.s32 $0x3A00, s11  }
0xd: {  	s10 =	sadd.s32 $0x15200, s11;
	s11 =	sshrl.u32 s12, $0x3;
	s12 =	simm.s32 $0x1  }
.LBB2_1:
0xe: {  	[spmem:s11], [sflag:s6] =	dma.local [hbm:s5], $0xA00  }
0xf: {  	_ =	swait.ge [sflag:s12], $0xA00  }
0x10: {  	[sflag:s12] =	ssyncset.done $0x0  }
0x11: {  	[sflag:s12] =	ssyncadd.s32 $0xFFFFF600  }
0x12: {  	s16 =	sadd.s32 $0x0, s10;
	[bflag:$0x0] =	sbarrier.arrive $0xFFFF  }
0x13: {  	[tilespmem:s3], [sflag:$0x1] =	stream.linear.gather [hbm4b:s16+s3], $0x80, $0x38;
	[tilespmem:$0x6100] =	vst v63  }
0x14: {  	_ =	swait.ge [sflag:s12], $0x80  }
0x15: {  	[sflag:s12] =	ssyncset.done $0x0  }
0x16: {  	s31 =	sadd.s32 $0x0, s9;
	[sflag:s12] =	ssyncadd.s32 $0xFFFFFF80  }
0x17: {  	[tilespmem:s13], [sflag:$0x1] =	stream.linear.gather [hbm4b:s31+s3], $0x80, $0x38;
	[tilespmem:$0x6100] =	vst v63  }
0x18: {  	_ =	swait.ge [sflag:s12], $0x80  }
0x19: {  	[sflag:s12] =	ssyncset.done $0x0  }
0x1a: {  	[sflag:s12] =	ssyncadd.s32 $0xFFFFFF80  }
0x1b: {  	[tilespmem:s14], [sflag:$0x1] =	stream.indirect.gather [hbm4b:s4+s13], $0x20, s3, s13, $0xb8;
	[tilespmem:$0x6100] =	vst v63  }
0x1c: {  	_ =	swait.ge [sflag:s12], $0x1000  }
0x1d: {  	[sflag:s12] =	ssyncset.done $0x0  }
0x1e: {  	[sflag:s12] =	ssyncadd.s32 $0xFFFFF000  }
0x1f: {  	[spmem:s2] =	stream.indirect.scatter.add.f32 [tilespmem:s14], [sflag:$0x1], $0x20, s13, s13, $0xb8;
	[tilespmem:$0x6100] =	vst v63  }
0x20: {  	_ =	swait.ge [sflag:s12], $0x1000  }
0x21: {  	s17 =	simm.s32 $0x20;
	s16 =	simm.s32 $0x10;
	[sflag:s12] =	ssyncset.done $0x0  }
.LBB2_2:
0x22: {  	s18 =	sadd.s32 s16, s10  }
0x23: {  	[sflag:s12] =	ssyncadd.s32 $0xFFFFF000;
	s19 =	smov.u32 s17;
	s20 =	sadd.s32 $0x10, s17  }
0x24: {  	[tilespmem:s3], [sflag:$0x1] =	stream.linear.gather [hbm4b:s18+s3], $0x80, $0x38;
	[tilespmem:$0x6100] =	vst v63  }
0x25: {  	p0 =	sne.s32 s17, $0x4E0;
	_ =	swait.ge [sflag:s12], $0x80  }
0x26: {  	[sflag:s12] =	ssyncset.done $0x0  }
0x27: {  	s17 =	sadd.s32 s16, s9;
	s16 =	smov.u32 s19;
	[sflag:s12] =	ssyncadd.s32 $0xFFFFFF80  }
0x28: {  	[tilespmem:s13], [sflag:$0x1] =	stream.linear.gather [hbm4b:s17+s3], $0x80, $0x38;
	[tilespmem:$0x6100] =	vst v63  }
0x29: {  	_ =	swait.ge [sflag:s12], $0x80  }
0x2a: {  	[sflag:s12] =	ssyncset.done $0x0  }
0x2b: {  	[sflag:s12] =	ssyncadd.s32 $0xFFFFFF80  }
0x2c: {  	[tilespmem:s14], [sflag:$0x1] =	stream.indirect.gather [hbm4b:s4+s13], $0x20, s3, s13, $0xb8;
	[tilespmem:$0x6100] =	vst v63  }
0x2d: {  	_ =	swait.ge [sflag:s12], $0x1000  }
.Ltmp0:
0x2e: {  	[sflag:s12] =	ssyncset.done $0x0;
	(pc) =	sbr.rel @p0 .LBB2_2-.Ltmp0, $4  }
0x2f: {  	[sflag:s12] =	ssyncadd.s32 $0xFFFFF000  }
0x30: {  	[spmem:s2] =	stream.indirect.scatter.add.f32 [tilespmem:s14], [sflag:$0x1], $0x20, s13, s13, $0xb8;
	[tilespmem:$0x6100] =	vst v63  }
0x31: {  	_ =	swait.ge [sflag:s12], $0x1000  }
0x32: {  	s17 =	smov.u32 s20;
	[sflag:s12] =	ssyncset.done $0x0  }
0x33: {  	s17 =	sadd.s32 s16, s10;
	[sflag:s12] =	ssyncadd.s32 $0xFFFFF000  }
0x34: {  	[tilespmem:s3], [sflag:$0x1] =	stream.linear.gather [hbm4b:s17+s3], $0x80, $0x38;
	[tilespmem:$0x6100] =	vst v63  }
0x35: {  	_ =	swait.ge [sflag:s12], $0x80  }
0x36: {  	[sflag:s12] =	ssyncset.done $0x0  }
0x37: {  	s31 =	sadd.s32 s16, s9;
	[sflag:s12] =	ssyncadd.s32 $0xFFFFFF80  }
0x38: {  	[tilespmem:s13], [sflag:$0x1] =	stream.linear.gather [hbm4b:s31+s3], $0x80, $0x38;
	[tilespmem:$0x6100] =	vst v63  }
0x39: {  	_ =	swait.ge [sflag:s12], $0x80  }
0x3a: {  	[sflag:s12] =	ssyncset.done $0x0  }
0x3b: {  	[sflag:s12] =	ssyncadd.s32 $0xFFFFFF80  }
0x3c: {  	[tilespmem:s14], [sflag:$0x1] =	stream.indirect.gather [hbm4b:s4+s13], $0x20, s3, s13, $0xb8;
	[tilespmem:$0x6100] =	vst v63  }
0x3d: {  	_ =	swait.ge [sflag:s12], $0x1000  }
0x3e: {  	[sflag:s12] =	ssyncset.done $0x0  }
0x3f: {  	[sflag:s12] =	ssyncadd.s32 $0xFFFFF000  }
0x40: {  	[spmem:s2] =	stream.indirect.scatter.add.f32 [tilespmem:s14], [sflag:$0x1], $0x20, s13, s13, $0xb8;
	[tilespmem:$0x6100] =	vst v63  }
0x41: {  	_ =	swait.ge [sflag:s12], $0x1000  }
0x42: {  	s15 =	sadd.s32 $0x1, s15;
	[sflag:s12] =	ssyncset.done $0x0  }
0x43: {  	p0 =	sne.s32 s15, s8;
	[sflag:s12] =	ssyncadd.s32 $0xFFFFF000  }
.Ltmp1:
0x44: {  	[bflag:$0x0] =	sbarrier.arrive $0xFFFF;
	(pc) =	sbr.rel @p0 .LBB2_1-.Ltmp1, $4  }
0x45: {  	[hbm:s7], [sflag:s6] =	dma.local [spmem:s11], $0xA00  }
0x46: {  	_ =	swait.ge [sflag:s12], $0xA00  }
0x47: {  	[sflag:s12] =	ssyncset.done $0x0  }
0x48: {  	[sflag:s12] =	ssyncadd.s32 $0xFFFFF600  }
0x49: {  	_ =	sfence.sel $0x180000  }
0x4a: {  	[bflag:$0x0] =	sbarrier.arrive $0xFFFF  }
0x4b: {  	p0 =	sne.s32 s1, $0x0;
	_ =	strace $0x9000004A  }
0x4c: {  	s0 =	sadd.s32 @!p0 $0x100000, s0;
	[bflag:$0x2] =	sbarrier.arrive $0xFFFF  }
0x4d: {  	[sflag:s0] =	ssyncadd.tile.s32 @!p0 $0x1;
	_ =	shalt  }
.Lfunc_end2:
_tile_overlayer_lowered:
.L_overlay_start_2:
0x4e: {  	(tag) =	ssettag $0x2  }
0x4f: {  	s0 =	rddreg [dreg:$0x0];
	s2 =	stileid.u32  }
0x50: {  	s1 =	rddreg [dreg:$0x1];
	p0 =	sne.s32 s2, $0x0  }
0x51: {  	s3 =	rddreg [dreg:$0x2];
	[bflag:$0x3] =	sbarrier.arrive $0xFFFF;
	s2 =	simm.s32 @!p0 $0x1C01  }
0x52: {  	[timem:s3], [sflag:s2] =	dma.local @!p0 [hbm:s0], s1  }
0x53: {  	s0 =	simm.s32 @!p0 $0x1  }
0x54: {  	_ =	swait.ge @!p0 [sflag:s0], s1  }
0x55: {  	s1 =	ssub.s32 @!p0 $0x0, s1;
	[sflag:s0] =	ssyncset.done @!p0 $0x0  }
0x56: {  	[sflag:s0] =	ssyncadd.s32 @!p0 s1  }
0x57: {  	[bflag:$0x3] =	sbarrier.arrive $0xFFFF  }
0x58: {  	_ =	shalt  }

// kernel: kernel.16.cloned.1.call-start
scs
__scs_entry_jumppad:
0x0: {  	(pc) =	sbr.rel $0x88, $3  }
0x1: {  	(tag) =	ssettag $0x0;
	lr =	simm.s32 $0x1  }
0x2: {  	[smem:$0x3F8A] =	sst lr;
	_ =	strace $0xD0000000  }
0x3: {  	_ = 	snop  }
0x4: {  	_ = 	snop  }
0x5: {  	_ = 	snop  }
0x6: {  	_ = 	snop  }
0x7: {  	_ = 	snop  }
__scs_overlays_trampoline_lowered:
0x8: {  	[smem:$0x3F99] =	sst s0  }
0x9: {  	[smem:$0x3F9A] =	sst s1  }
0xa: {  	[smem:$0x3F9B] =	sst s2  }
0xb: {  	[smem:$0x3F9C] =	sst s3  }
0xc: {  	[smem:$0x3F9D] =	sst s4  }
0xd: {  	[smem:$0x3F9E] =	sst s5  }
0xe: {  	[smem:$0x3F9F] =	sst s6  }
0xf: {  	[smem:$0x3FA0] =	sst s7  }
0x10: {  	[smem:$0x3FA1] =	sst s8  }
0x11: {  	[smem:$0x3FA2] =	sst s9;
	s0 =	simm.s32 @!p0 $0x0  }
0x12: {  	s1 =	sld [smem:$0x3F88];
	s0 =	simm.s32 @p0 $0x1  }
0x13: {  	[smem:$0x3FA3] =	sst s0;
	s0 =	simm.s32 @!p1 $0x0  }
0x14: {  	s2 =	sld [smem:$0x3F87];
	s0 =	simm.s32 @p1 $0x1  }
0x15: {  	[smem:$0x3FA4] =	sst s0;
	s0 =	simm.s32 @!p2 $0x0  }
0x16: {  	s3 =	sld [smem:$0x3FDB];
	s0 =	simm.s32 @p2 $0x1  }
0x17: {  	s4 =	simm.s32 $0x1BF5;
	[smem:$0x3FA6] =	sst s0  }
0x18: {  	s0 =	sld [smem:$0x3F89];
	_ =	swait.ge [sflag:s4], $0x0  }
0x19: {  	s7 =	sld [smem:$0x3F8A]  }
0x1a: {  	s8 =	sadd.s32 $0xFFFFE003, lr  }
0x1b: {  	s9 =	sadd.s32 $0xFFFFFEF7, lr;
	s5 =	simm.s32 $0xFFFFFFFF;
	p2 =	slt.u32 s8, $0xFFFFF086  }
0x1c: {  	p1 =	slt.u32 s9, $0xF7A;
	s5 =	simm.s32 @!p2 $0x0  }
0x1d: {  	s5 =	simm.s32 @p1 $0x1;
	p0 =	seq.s32 s7, s2  }
0x1e: {  	s7 =	smul.u32 @!p0 $0xF7A, s2;
	p2 =	seq.s32 @!p0 s5, $0x0  }
0x1f: {  	s9 =	smul.u32 $0xF7A, s1;
	s8 =	simm.s32 @!p0 $0x1BF5;
	p2 =	por !p2, p0  }
0x20: {  	[sflag:s8] =	ssyncset.s32 @!p0 $0xFFFFF086;
	s6 =	sadd.s32 @!p0 s3, s7;
	s7 =	simm.s32 @!p0 $0x108  }
0x21: {  	s3 =	sadd.s32 s3, s9;
	s6 =	sadd.s32 @!p0 $0x88, s6;
	s7 =	simm.s32 @p2 $0x1082  }
0x22: {  	[simem:s7], [sflag:s8] =	dma.local @!p0 [hbm:s6], $0xF7A  }
0x23: {  	s9 =	sor.u32 $0xD0000000, s2;
	s6 =	simm.s32 $0x108;
	_ =	swait.ge @!p0 [sflag:s8], $0x0  }
0x24: {  	s3 =	sadd.s32 $0x88, s3;
	s6 =	simm.s32 @!p1 $0x1082;
	[sflag:s4] =	ssyncset.s32 $0xFFFFF086  }
0x25: {  	[simem:s6], [sflag:s4] =	dma.local [hbm:s3], $0xF7A  }
0x26: {  	[smem:$0x3F8A] =	sst s1;
	(tag) =	ssettag s2;
	_ =	strace s9  }
0x27: {  	s1 =	sld [smem:$0x3F9A]  }
0x28: {  	s2 =	sld [smem:$0x3F9B]  }
0x29: {  	s4 =	sld [smem:$0x3F9D]  }
0x2a: {  	p0 =	seq.s32 s5, $0x0;
	s5 =	sld [smem:$0x3F9E]  }
0x2b: {  	s6 =	sld [smem:$0x3F9F]  }
0x2c: {  	s7 =	sld [smem:$0x3FA0]  }
0x2d: {  	s3 =	simm.s32 $0x108;
	s8 =	sld [smem:$0x3FA1]  }
0x2e: {  	s3 =	simm.s32 @!p0 $0x1082;
	s9 =	sld [smem:$0x3FA2]  }
0x2f: {  	lr =	sadd.s32 s0, s3;
	s0 =	sld [smem:$0x3F99]  }
0x30: {  	s3 =	sld [smem:$0x3F9C]  }
0x31: {  	[smem:$0x3FA5] =	sst s10  }
0x32: {  	s10 =	sld [smem:$0x3FA3];
	_ =	sdelay $0x3  }
0x33: {  	p0 =	seq.s32 s10, $0x1;
	s10 =	sld [smem:$0x3FA5];
	_ =	sdelay $0x3  }
0x34: {  	[smem:$0x3FA5] =	sst s10  }
0x35: {  	s10 =	sld [smem:$0x3FA4];
	_ =	sdelay $0x3  }
0x36: {  	p1 =	seq.s32 s10, $0x1;
	s10 =	sld [smem:$0x3FA5];
	_ =	sdelay $0x3  }
0x37: {  	[smem:$0x3FA5] =	sst s10  }
0x38: {  	s10 =	sld [smem:$0x3FA6]  }
0x39: {  	_ = 	snop;
	(pc) =	sbr.ind lr, $3  }
0x3a: {  	_ = 	snop  }
0x3b: {  	_ = 	snop  }
0x3c: {  	p2 =	seq.s32 s10, $0x1;
	s10 =	sld [smem:$0x3FA5]  }
0x3d: {  	_ =	shalt  }
0x3e: {  	_ =	shalt  }
0x3f: {  	_ =	shalt  }
0x40: {  	_ =	shalt  }
0x41: {  	_ =	shalt  }
0x42: {  	_ =	shalt  }
0x43: {  	_ =	shalt  }
0x44: {  	_ =	shalt  }
0x45: {  	_ =	shalt  }
0x46: {  	_ =	shalt  }
0x47: {  	_ =	shalt  }
0x48: {  	_ =	shalt  }
0x49: {  	_ =	shalt  }
0x4a: {  	_ =	shalt  }
0x4b: {  	_ =	shalt  }
0x4c: {  	_ =	shalt  }
0x4d: {  	_ =	shalt  }
0x4e: {  	_ =	shalt  }
0x4f: {  	_ =	shalt  }
0x50: {  	_ =	shalt  }
0x51: {  	_ =	shalt  }
0x52: {  	_ =	shalt  }
0x53: {  	_ =	shalt  }
0x54: {  	_ =	shalt  }
0x55: {  	_ =	shalt  }
0x56: {  	_ =	shalt  }
0x57: {  	_ =	shalt  }
0x58: {  	_ =	shalt  }
0x59: {  	_ =	shalt  }
0x5a: {  	_ =	shalt  }
0x5b: {  	_ =	shalt  }
0x5c: {  	_ =	shalt  }
0x5d: {  	_ =	shalt  }
0x5e: {  	_ =	shalt  }
0x5f: {  	_ =	shalt  }
0x60: {  	_ =	shalt  }
0x61: {  	_ =	shalt  }
0x62: {  	_ =	shalt  }
0x63: {  	_ =	shalt  }
0x64: {  	_ =	shalt  }
0x65: {  	_ =	shalt  }
0x66: {  	_ =	shalt  }
0x67: {  	_ =	shalt  }
0x68: {  	_ =	shalt  }
0x69: {  	_ =	shalt  }
0x6a: {  	_ =	shalt  }
0x6b: {  	_ =	shalt  }
0x6c: {  	_ =	shalt  }
0x6d: {  	_ =	shalt  }
0x6e: {  	_ =	shalt  }
0x6f: {  	_ =	shalt  }
0x70: {  	_ =	shalt  }
0x71: {  	_ =	shalt  }
0x72: {  	_ =	shalt  }
0x73: {  	_ =	shalt  }
0x74: {  	_ =	shalt  }
0x75: {  	_ =	shalt  }
0x76: {  	_ =	shalt  }
0x77: {  	_ =	shalt  }
0x78: {  	_ =	shalt  }
0x79: {  	_ =	shalt  }
0x7a: {  	_ =	shalt  }
0x7b: {  	_ =	shalt  }
0x7c: {  	_ =	shalt  }
0x7d: {  	_ =	shalt  }
0x7e: {  	_ =	shalt  }
0x7f: {  	_ =	shalt  }
0x80: {  	_ =	shalt  }
0x81: {  	_ =	shalt  }
0x82: {  	_ =	shalt  }
0x83: {  	_ =	shalt  }
0x84: {  	_ =	shalt  }
0x85: {  	_ =	shalt  }
0x86: {  	_ =	shalt  }
0x87: {  	_ =	shalt  }
.Lfunc_end0:
.L_simem_size_0:
called_computation.2_lowered:
.L_overlay_start_0:
0x88: {  	s2 =	sld [smem:$0x3FD9]  }
0x89: {  	s3 =	sld [smem:$0x3FFE];
	_ =	sdelay $0x1  }
0x8a: {  	s1 =	srdreg.scid  }
0x8b: {  	s0 =	sand.u32 $0x1, s1  }
0x8c: {  	s16 =	sshll.u32 s0, $0xA;
	s2 =	sadd.s32 s3, s2  }
0x8d: {  	s2 =	sadd.s32 s2, s16  }
0x8e: {  	[smem:$0x3FB1] =	sst s2  }
0x8f: {  	_ = 	snop  }
0x90: {  	(tm) =	ssettm $0x1  }
0x91: {  	s17 =	sld [smem:$0x3FFB];
	_ =	sdelay $0x3  }
0x92: {  	_ =	strace s17  }
0x93: {  	s2 =	sld [smem:$0x3FFC];
	_ =	sdelay $0x3  }
0x94: {  	_ =	strace s2  }
0x95: {  	s2 =	sld [smem:$0x3FFD];
	_ =	sdelay $0x3  }
0x96: {  	_ =	strace s2  }
0x97: {  	_ =	strace $0x8FFFFFFF  }
0x98: {  	s18 =	sld [smem:$0x3FDB];
	_ =	sdelay $0x1  }
0x99: {  	s19 =	simm.s32 $_scs_section_size  }
0x9a: {  	s4 =	simm.s32 $_size__tile_overlayer_lowered;
	s5 =	simm.s32 $_tile_overlayer_lowered  }
0x9b: {  	s22 =	simm.s32 $0x1BFF;
	s21 =	sshll.u32 s5, $0x1;
	s2 =	sadd.s32 s19, s18  }
0x9c: {  	s6 =	simm.s32 $0x0;
	s20 =	sshll.u32 s4, $0x1;
	s4 =	sadd.s32 s21, s2  }
0x9d: {  	[timem:s6], [sflag:s22] =	dma.local [hbm:s4], s20  }
0x9e: {  	_ =	swait.ge [sflag:s22], s20  }
0x9f: {  	s3 =	ssub.s32 $0x0, s20;
	[sflag:s22] =	ssyncset.done $0x0  }
0xa0: {  	[sflag:s22] =	ssyncadd.s32 s3;
	_ =	sdelay $0x1  }
0xa1: {  	s23 =	simm.s32 $0x1B8B  }
0xa2: {  	_ =	swait.ge [sflag:s23], $0x1  }
0xa3: {  	[sflag:s23] =	ssyncset.done $0x0  }
0xa4: {  	s25 =	simm.s32 $0x1B8E;
	s24 =	sld [smem:$0x3FFE];
	[sflag:s23] =	ssyncadd.s32 $0xFFFFFFFF  }
0xa5: {  	s26 =	simm.s32 $execute0_lowered;
	[smem:$0x3FD2] =	sst s25  }
0xa6: {  	s4 =	sshll.u32 s26, $0x1;
	_ =	strace $0x8000004C;
	[dreg:$0x1] =	wrdreg $0xFFFFFFFF  }
0xa7: {  	s28 =	simm.s32 $_size_execute0_lowered;
	s2 =	sadd.s32 s2, s4;
	[dreg:$0x0] =	wrdreg $0x0  }
0xa8: {  	s4 =	sshll.u32 s28, $0x1;
	[dreg:$0x2] =	wrdreg s2  }
0xa9: {  	[dreg:$0x3] =	wrdreg s4  }
0xaa: {  	[dreg:$0x4] =	wrdreg $0xC0  }
0xab: {  	_ =	task [dreg:s6], $0x5FFFF  }
0xac: {  	[dreg:$0x1] =	wrdreg $0xFFFFFFFF  }
0xad: {  	[dreg:$0x0] =	wrdreg $0x60  }
0xae: {  	[dreg:$0x2] =	wrdreg s24  }
0xaf: {  	[dreg:$0x3] =	wrdreg $0x11000  }
0xb0: {  	[dreg:$0x4] =	wrdreg $0x9  }
0xb1: {  	_ =	task.clear_ibuf [dreg:s6], $0x5FFFF;
	_ =	strace $0x9000004C  }
0xb2: {  	s29 =	simm.s32 $0x9;
	_ =	strace $0x8000004E  }
0xb3: {  	_ =	swait.ge [sflag:s29], $0x1  }
0xb4: {  	[sflag:s29] =	ssyncadd.s32 $0xFFFFFFFF  }
0xb5: {  	_ =	strace $0x9000004E  }
0xb6: {  	_ =	sfence  }
0xb7: {  	s30 =	sld [smem:$0x0];
	_ =	sdelay $0x2  }
0xb8: {  	s31 =	sshll.u32 s1, $0xD;
	s1 =	sshrl.u32 s1, $0x2  }
0xb9: {  	s3 =	sand.u32 $0x4000, s31;
	s1 =	sadd.s32 s1, s30  }
0xba: {  	s0 =	sor.u32 s3, s0;
	s1 =	sshll.u32 s1, $0x11  }
0xbb: {  	s0 =	sor.u32 s1, s0  }
0xbc: {  	s0 =	sadd.s32 $0x8F2B, s0  }
0xbd: {  	[sflag:s0] =	ssyncadd.remote.s32 $0x1  }
0xbe: {  	_ =	sfence.sel $0xFFFF  }
0xbf: {  	[dreg:$0x0] =	wrdreg $0xFFFFFFFF;
	(pc) =	sbr.abs _section_cstart, $3  }
0xc0: {  	[dreg:$0x1] =	wrdreg $0xFFFFFFFF  }
0xc1: {  	_ =	task.clear_ibuf [dreg:s6], $0x2FFFF;
	_ =	strace $0x9FFFFFFF  }
0xc2: {  	(tm) =	ssettm $0x7FFFFFFF  }
0xc3: {  	_ =	shalt  }
tec
execute0_lowered:
.L_overlay_start_1:
0x0: {  	(tag) =	ssettag $0x1  }
0x1: {  	s5 =	rddreg [dreg:$0x0];
	s0 =	srdreg.scid  }
0x2: {  	s2 =	rddreg [dreg:$0x1];
	s1 =	stileid.u32;
	s3 =	simm.s32 $0x0  }
0x3: {  	s13 =	simm.s32 $0x80;
	s14 =	simm.s32 $0x100;
	s7 =	smul.u32 $0x2780, s1  }
0x4: {  	s6 =	sand.u32 $0x1, s0;
	s0 =	rddreg [dreg:$0x2];
	s8 =	smul.u32 $0x5000, s1  }
0x5: {  	s15 =	simm.s32 $0x0;
	[smem:$0x7FF] =	sst s3;
	s9 =	smul.u32 $0xA00, s1  }
0x6: {  	s31 =	sshll.u32 s1, $0x6;
	s4 =	smul.u32 $0x27800, s6;
	_ =	strace $0x8000004D  }
0x7: {  	s10 =	smul.u32 $0xA000, s6;
	s6 =	ssub.s32 $0x2, s6;
	s29 =	sshrl.u32 s8, $0x3  }
0x8: {  	s30 =	sshrl.u32 s6, $0x1;
	s12 =	sadd.s32 s8, s2;
	s7 =	sadd.s32 s7, s4  }
0x9: {  	s4 =	sadd.s32 $0x1F000, s5;
	s9 =	sadd.s32 s9, s10;
	s10 =	ssub.s32 s6, s30  }
0xa: {  	s6 =	sor.u32 $0x1C01, s31;
	s7 =	sshrl.u32 s7, $0x3;
	s9 =	sadd.s32 s9, s5  }
0xb: {  	s8 =	smax.u32 s10, $0x1;
	s11 =	sadd.s32 s7, s5;
	s7 =	sadd.s32 s29, s5  }
0xc: {  	s5 =	sadd.s32 $0x29000, s7;
	s7 =	sadd.s32 $0x33000, s9;
	s9 =	sadd.s32 $0x3A00, s11  }
0xd: {  	s10 =	sadd.s32 $0x15200, s11;
	s11 =	sshrl.u32 s12, $0x3;
	s12 =	simm.s32 $0x1  }
.LBB2_1:
0xe: {  	[spmem:s11], [sflag:s6] =	dma.local [hbm:s5], $0xA00  }
0xf: {  	_ =	swait.ge [sflag:s12], $0xA00  }
0x10: {  	[sflag:s12] =	ssyncset.done $0x0  }
0x11: {  	[sflag:s12] =	ssyncadd.s32 $0xFFFFF600  }
0x12: {  	s16 =	sadd.s32 $0x0, s10;
	[bflag:$0x0] =	sbarrier.arrive $0xFFFF  }
0x13: {  	[tilespmem:s3], [sflag:$0x1] =	stream.linear.gather [hbm4b:s16+s3], $0x80, $0x38;
	[tilespmem:$0x6100] =	vst v63  }
0x14: {  	_ =	swait.ge [sflag:s12], $0x80  }
0x15: {  	[sflag:s12] =	ssyncset.done $0x0  }
0x16: {  	s31 =	sadd.s32 $0x0, s9;
	[sflag:s12] =	ssyncadd.s32 $0xFFFFFF80  }
0x17: {  	[tilespmem:s13], [sflag:$0x1] =	stream.linear.gather [hbm4b:s31+s3], $0x80, $0x38;
	[tilespmem:$0x6100] =	vst v63  }
0x18: {  	_ =	swait.ge [sflag:s12], $0x80  }
0x19: {  	[sflag:s12] =	ssyncset.done $0x0  }
0x1a: {  	[sflag:s12] =	ssyncadd.s32 $0xFFFFFF80  }
0x1b: {  	[tilespmem:s14], [sflag:$0x1] =	stream.indirect.gather [hbm4b:s4+s13], $0x20, s3, s13, $0xb8;
	[tilespmem:$0x6100] =	vst v63  }
0x1c: {  	_ =	swait.ge [sflag:s12], $0x1000  }
0x1d: {  	[sflag:s12] =	ssyncset.done $0x0  }
0x1e: {  	[sflag:s12] =	ssyncadd.s32 $0xFFFFF000  }
0x1f: {  	[spmem:s2] =	stream.indirect.scatter.add.f32 [tilespmem:s14], [sflag:$0x1], $0x20, s13, s13, $0xb8;
	[tilespmem:$0x6100] =	vst v63  }
0x20: {  	_ =	swait.ge [sflag:s12], $0x1000  }
0x21: {  	s17 =	simm.s32 $0x20;
	s16 =	simm.s32 $0x10;
	[sflag:s12] =	ssyncset.done $0x0  }
.LBB2_2:
0x22: {  	s18 =	sadd.s32 s16, s10  }
0x23: {  	[sflag:s12] =	ssyncadd.s32 $0xFFFFF000;
	s19 =	smov.u32 s17;
	s20 =	sadd.s32 $0x10, s17  }
0x24: {  	[tilespmem:s3], [sflag:$0x1] =	stream.linear.gather [hbm4b:s18+s3], $0x80, $0x38;
	[tilespmem:$0x6100] =	vst v63  }
0x25: {  	p0 =	sne.s32 s17, $0x4E0;
	_ =	swait.ge [sflag:s12], $0x80  }
0x26: {  	[sflag:s12] =	ssyncset.done $0x0  }
0x27: {  	s17 =	sadd.s32 s16, s9;
	s16 =	smov.u32 s19;
	[sflag:s12] =	ssyncadd.s32 $0xFFFFFF80  }
0x28: {  	[tilespmem:s13], [sflag:$0x1] =	stream.linear.gather [hbm4b:s17+s3], $0x80, $0x38;
	[tilespmem:$0x6100] =	vst v63  }
0x29: {  	_ =	swait.ge [sflag:s12], $0x80  }
0x2a: {  	[sflag:s12] =	ssyncset.done $0x0  }
0x2b: {  	[sflag:s12] =	ssyncadd.s32 $0xFFFFFF80  }
0x2c: {  	[tilespmem:s14], [sflag:$0x1] =	stream.indirect.gather [hbm4b:s4+s13], $0x20, s3, s13, $0xb8;
	[tilespmem:$0x6100] =	vst v63  }
0x2d: {  	_ =	swait.ge [sflag:s12], $0x1000  }
.Ltmp0:
0x2e: {  	[sflag:s12] =	ssyncset.done $0x0;
	(pc) =	sbr.rel @p0 .LBB2_2-.Ltmp0, $4  }
0x2f: {  	[sflag:s12] =	ssyncadd.s32 $0xFFFFF000  }
0x30: {  	[spmem:s2] =	stream.indirect.scatter.add.f32 [tilespmem:s14], [sflag:$0x1], $0x20, s13, s13, $0xb8;
	[tilespmem:$0x6100] =	vst v63  }
0x31: {  	_ =	swait.ge [sflag:s12], $0x1000  }
0x32: {  	s17 =	smov.u32 s20;
	[sflag:s12] =	ssyncset.done $0x0  }
0x33: {  	s17 =	sadd.s32 s16, s10;
	[sflag:s12] =	ssyncadd.s32 $0xFFFFF000  }
0x34: {  	[tilespmem:s3], [sflag:$0x1] =	stream.linear.gather [hbm4b:s17+s3], $0x80, $0x38;
	[tilespmem:$0x6100] =	vst v63  }
0x35: {  	_ =	swait.ge [sflag:s12], $0x80  }
0x36: {  	[sflag:s12] =	ssyncset.done $0x0  }
0x37: {  	s31 =	sadd.s32 s16, s9;
	[sflag:s12] =	ssyncadd.s32 $0xFFFFFF80  }
0x38: {  	[tilespmem:s13], [sflag:$0x1] =	stream.linear.gather [hbm4b:s31+s3], $0x80, $0x38;
	[tilespmem:$0x6100] =	vst v63  }
0x39: {  	_ =	swait.ge [sflag:s12], $0x80  }
0x3a: {  	[sflag:s12] =	ssyncset.done $0x0  }
0x3b: {  	[sflag:s12] =	ssyncadd.s32 $0xFFFFFF80  }
0x3c: {  	[tilespmem:s14], [sflag:$0x1] =	stream.indirect.gather [hbm4b:s4+s13], $0x20, s3, s13, $0xb8;
	[tilespmem:$0x6100] =	vst v63  }
0x3d: {  	_ =	swait.ge [sflag:s12], $0x1000  }
0x3e: {  	[sflag:s12] =	ssyncset.done $0x0  }
0x3f: {  	[sflag:s12] =	ssyncadd.s32 $0xFFFFF000  }
0x40: {  	[spmem:s2] =	stream.indirect.scatter.add.f32 [tilespmem:s14], [sflag:$0x1], $0x20, s13, s13, $0xb8;
	[tilespmem:$0x6100] =	vst v63  }
0x41: {  	_ =	swait.ge [sflag:s12], $0x1000  }
0x42: {  	s15 =	sadd.s32 $0x1, s15;
	[sflag:s12] =	ssyncset.done $0x0  }
0x43: {  	p0 =	sne.s32 s15, s8;
	[sflag:s12] =	ssyncadd.s32 $0xFFFFF000  }
.Ltmp1:
0x44: {  	[bflag:$0x0] =	sbarrier.arrive $0xFFFF;
	(pc) =	sbr.rel @p0 .LBB2_1-.Ltmp1, $4  }
0x45: {  	[hbm:s7], [sflag:s6] =	dma.local [spmem:s11], $0xA00  }
0x46: {  	_ =	swait.ge [sflag:s12], $0xA00  }
0x47: {  	[sflag:s12] =	ssyncset.done $0x0  }
0x48: {  	[sflag:s12] =	ssyncadd.s32 $0xFFFFF600  }
0x49: {  	_ =	sfence.sel $0x180000  }
0x4a: {  	[bflag:$0x0] =	sbarrier.arrive $0xFFFF  }
0x4b: {  	p0 =	sne.s32 s1, $0x0;
	_ =	strace $0x9000004D  }
0x4c: {  	s0 =	sadd.s32 @!p0 $0x100000, s0;
	[bflag:$0x2] =	sbarrier.arrive $0xFFFF  }
0x4d: {  	[sflag:s0] =	ssyncadd.tile.s32 @!p0 $0x1;
	_ =	shalt  }
.Lfunc_end2:
_tile_overlayer_lowered:
.L_overlay_start_2:
0x4e: {  	(tag) =	ssettag $0x2  }
0x4f: {  	s0 =	rddreg [dreg:$0x0];
	s2 =	stileid.u32  }
0x50: {  	s1 =	rddreg [dreg:$0x1];
	p0 =	sne.s32 s2, $0x0  }
0x51: {  	s3 =	rddreg [dreg:$0x2];
	[bflag:$0x3] =	sbarrier.arrive $0xFFFF;
	s2 =	simm.s32 @!p0 $0x1C01  }
0x52: {  	[timem:s3], [sflag:s2] =	dma.local @!p0 [hbm:s0], s1  }
0x53: {  	s0 =	simm.s32 @!p0 $0x1  }
0x54: {  	_ =	swait.ge @!p0 [sflag:s0], s1  }
0x55: {  	s1 =	ssub.s32 @!p0 $0x0, s1;
	[sflag:s0] =	ssyncset.done @!p0 $0x0  }
0x56: {  	[sflag:s0] =	ssyncadd.s32 @!p0 s1  }
0x57: {  	[bflag:$0x3] =	sbarrier.arrive $0xFFFF  }
0x58: {  	_ =	shalt  }

// kernel: kernel.19.cloned.1.call-start
scs
__scs_entry_jumppad:
0x0: {  	(pc) =	sbr.rel $0x88, $3  }
0x1: {  	(tag) =	ssettag $0x0;
	lr =	simm.s32 $0x1  }
0x2: {  	[smem:$0x3F8A] =	sst lr;
	_ =	strace $0xD0000000  }
0x3: {  	_ = 	snop  }
0x4: {  	_ = 	snop  }
0x5: {  	_ = 	snop  }
0x6: {  	_ = 	snop  }
0x7: {  	_ = 	snop  }
__scs_overlays_trampoline_lowered:
0x8: {  	[smem:$0x3F99] =	sst s0  }
0x9: {  	[smem:$0x3F9A] =	sst s1  }
0xa: {  	[smem:$0x3F9B] =	sst s2  }
0xb: {  	[smem:$0x3F9C] =	sst s3  }
0xc: {  	[smem:$0x3F9D] =	sst s4  }
0xd: {  	[smem:$0x3F9E] =	sst s5  }
0xe: {  	[smem:$0x3F9F] =	sst s6  }
0xf: {  	[smem:$0x3FA0] =	sst s7  }
0x10: {  	[smem:$0x3FA1] =	sst s8  }
0x11: {  	[smem:$0x3FA2] =	sst s9;
	s0 =	simm.s32 @!p0 $0x0  }
0x12: {  	s1 =	sld [smem:$0x3F88];
	s0 =	simm.s32 @p0 $0x1  }
0x13: {  	[smem:$0x3FA3] =	sst s0;
	s0 =	simm.s32 @!p1 $0x0  }
0x14: {  	s2 =	sld [smem:$0x3F87];
	s0 =	simm.s32 @p1 $0x1  }
0x15: {  	[smem:$0x3FA4] =	sst s0;
	s0 =	simm.s32 @!p2 $0x0  }
0x16: {  	s3 =	sld [smem:$0x3FDB];
	s0 =	simm.s32 @p2 $0x1  }
0x17: {  	s4 =	simm.s32 $0x1BF5;
	[smem:$0x3FA6] =	sst s0  }
0x18: {  	s0 =	sld [smem:$0x3F89];
	_ =	swait.ge [sflag:s4], $0x0  }
0x19: {  	s7 =	sld [smem:$0x3F8A]  }
0x1a: {  	s8 =	sadd.s32 $0xFFFFE003, lr  }
0x1b: {  	s9 =	sadd.s32 $0xFFFFFEF7, lr;
	s5 =	simm.s32 $0xFFFFFFFF;
	p2 =	slt.u32 s8, $0xFFFFF086  }
0x1c: {  	p1 =	slt.u32 s9, $0xF7A;
	s5 =	simm.s32 @!p2 $0x0  }
0x1d: {  	s5 =	simm.s32 @p1 $0x1;
	p0 =	seq.s32 s7, s2  }
0x1e: {  	s7 =	smul.u32 @!p0 $0xF7A, s2;
	p2 =	seq.s32 @!p0 s5, $0x0  }
0x1f: {  	s9 =	smul.u32 $0xF7A, s1;
	s8 =	simm.s32 @!p0 $0x1BF5;
	p2 =	por !p2, p0  }
0x20: {  	[sflag:s8] =	ssyncset.s32 @!p0 $0xFFFFF086;
	s6 =	sadd.s32 @!p0 s3, s7;
	s7 =	simm.s32 @!p0 $0x108  }
0x21: {  	s3 =	sadd.s32 s3, s9;
	s6 =	sadd.s32 @!p0 $0x88, s6;
	s7 =	simm.s32 @p2 $0x1082  }
0x22: {  	[simem:s7], [sflag:s8] =	dma.local @!p0 [hbm:s6], $0xF7A  }
0x23: {  	s9 =	sor.u32 $0xD0000000, s2;
	s6 =	simm.s32 $0x108;
	_ =	swait.ge @!p0 [sflag:s8], $0x0  }
0x24: {  	s3 =	sadd.s32 $0x88, s3;
	s6 =	simm.s32 @!p1 $0x1082;
	[sflag:s4] =	ssyncset.s32 $0xFFFFF086  }
0x25: {  	[simem:s6], [sflag:s4] =	dma.local [hbm:s3], $0xF7A  }
0x26: {  	[smem:$0x3F8A] =	sst s1;
	(tag) =	ssettag s2;
	_ =	strace s9  }
0x27: {  	s1 =	sld [smem:$0x3F9A]  }
0x28: {  	s2 =	sld [smem:$0x3F9B]  }
0x29: {  	s4 =	sld [smem:$0x3F9D]  }
0x2a: {  	p0 =	seq.s32 s5, $0x0;
	s5 =	sld [smem:$0x3F9E]  }
0x2b: {  	s6 =	sld [smem:$0x3F9F]  }
0x2c: {  	s7 =	sld [smem:$0x3FA0]  }
0x2d: {  	s3 =	simm.s32 $0x108;
	s8 =	sld [smem:$0x3FA1]  }
0x2e: {  	s3 =	simm.s32 @!p0 $0x1082;
	s9 =	sld [smem:$0x3FA2]  }
0x2f: {  	lr =	sadd.s32 s0, s3;
	s0 =	sld [smem:$0x3F99]  }
0x30: {  	s3 =	sld [smem:$0x3F9C]  }
0x31: {  	[smem:$0x3FA5] =	sst s10  }
0x32: {  	s10 =	sld [smem:$0x3FA3];
	_ =	sdelay $0x3  }
0x33: {  	p0 =	seq.s32 s10, $0x1;
	s10 =	sld [smem:$0x3FA5];
	_ =	sdelay $0x3  }
0x34: {  	[smem:$0x3FA5] =	sst s10  }
0x35: {  	s10 =	sld [smem:$0x3FA4];
	_ =	sdelay $0x3  }
0x36: {  	p1 =	seq.s32 s10, $0x1;
	s10 =	sld [smem:$0x3FA5];
	_ =	sdelay $0x3  }
0x37: {  	[smem:$0x3FA5] =	sst s10  }
0x38: {  	s10 =	sld [smem:$0x3FA6]  }
0x39: {  	_ = 	snop;
	(pc) =	sbr.ind lr, $3  }
0x3a: {  	_ = 	snop  }
0x3b: {  	_ = 	snop  }
0x3c: {  	p2 =	seq.s32 s10, $0x1;
	s10 =	sld [smem:$0x3FA5]  }
0x3d: {  	_ =	shalt  }
0x3e: {  	_ =	shalt  }
0x3f: {  	_ =	shalt  }
0x40: {  	_ =	shalt  }
0x41: {  	_ =	shalt  }
0x42: {  	_ =	shalt  }
0x43: {  	_ =	shalt  }
0x44: {  	_ =	shalt  }
0x45: {  	_ =	shalt  }
0x46: {  	_ =	shalt  }
0x47: {  	_ =	shalt  }
0x48: {  	_ =	shalt  }
0x49: {  	_ =	shalt  }
0x4a: {  	_ =	shalt  }
0x4b: {  	_ =	shalt  }
0x4c: {  	_ =	shalt  }
0x4d: {  	_ =	shalt  }
0x4e: {  	_ =	shalt  }
0x4f: {  	_ =	shalt  }
0x50: {  	_ =	shalt  }
0x51: {  	_ =	shalt  }
0x52: {  	_ =	shalt  }
0x53: {  	_ =	shalt  }
0x54: {  	_ =	shalt  }
0x55: {  	_ =	shalt  }
0x56: {  	_ =	shalt  }
0x57: {  	_ =	shalt  }
0x58: {  	_ =	shalt  }
0x59: {  	_ =	shalt  }
0x5a: {  	_ =	shalt  }
0x5b: {  	_ =	shalt  }
0x5c: {  	_ =	shalt  }
0x5d: {  	_ =	shalt  }
0x5e: {  	_ =	shalt  }
0x5f: {  	_ =	shalt  }
0x60: {  	_ =	shalt  }
0x61: {  	_ =	shalt  }
0x62: {  	_ =	shalt  }
0x63: {  	_ =	shalt  }
0x64: {  	_ =	shalt  }
0x65: {  	_ =	shalt  }
0x66: {  	_ =	shalt  }
0x67: {  	_ =	shalt  }
0x68: {  	_ =	shalt  }
0x69: {  	_ =	shalt  }
0x6a: {  	_ =	shalt  }
0x6b: {  	_ =	shalt  }
0x6c: {  	_ =	shalt  }
0x6d: {  	_ =	shalt  }
0x6e: {  	_ =	shalt  }
0x6f: {  	_ =	shalt  }
0x70: {  	_ =	shalt  }
0x71: {  	_ =	shalt  }
0x72: {  	_ =	shalt  }
0x73: {  	_ =	shalt  }
0x74: {  	_ =	shalt  }
0x75: {  	_ =	shalt  }
0x76: {  	_ =	shalt  }
0x77: {  	_ =	shalt  }
0x78: {  	_ =	shalt  }
0x79: {  	_ =	shalt  }
0x7a: {  	_ =	shalt  }
0x7b: {  	_ =	shalt  }
0x7c: {  	_ =	shalt  }
0x7d: {  	_ =	shalt  }
0x7e: {  	_ =	shalt  }
0x7f: {  	_ =	shalt  }
0x80: {  	_ =	shalt  }
0x81: {  	_ =	shalt  }
0x82: {  	_ =	shalt  }
0x83: {  	_ =	shalt  }
0x84: {  	_ =	shalt  }
0x85: {  	_ =	shalt  }
0x86: {  	_ =	shalt  }
0x87: {  	_ =	shalt  }
.Lfunc_end0:
.L_simem_size_0:
called_computation.3_lowered:
.L_overlay_start_0:
0x88: {  	s2 =	sld [smem:$0x3FD9]  }
0x89: {  	s3 =	sld [smem:$0x3FFE];
	_ =	sdelay $0x1  }
0x8a: {  	s1 =	srdreg.scid  }
0x8b: {  	s0 =	sand.u32 $0x1, s1  }
0x8c: {  	s16 =	sshll.u32 s0, $0xA;
	s2 =	sadd.s32 s3, s2  }
0x8d: {  	s2 =	sadd.s32 s2, s16  }
0x8e: {  	[smem:$0x3FB1] =	sst s2  }
0x8f: {  	_ = 	snop  }
0x90: {  	(tm) =	ssettm $0x1  }
0x91: {  	s17 =	sld [smem:$0x3FFB];
	_ =	sdelay $0x3  }
0x92: {  	_ =	strace s17  }
0x93: {  	s2 =	sld [smem:$0x3FFC];
	_ =	sdelay $0x3  }
0x94: {  	_ =	strace s2  }
0x95: {  	s2 =	sld [smem:$0x3FFD];
	_ =	sdelay $0x3  }
0x96: {  	_ =	strace s2  }
0x97: {  	_ =	strace $0x8FFFFFFF  }
0x98: {  	s18 =	sld [smem:$0x3FDB];
	_ =	sdelay $0x1  }
0x99: {  	s19 =	simm.s32 $_scs_section_size  }
0x9a: {  	s4 =	simm.s32 $_size__tile_overlayer_lowered;
	s5 =	simm.s32 $_tile_overlayer_lowered  }
0x9b: {  	s22 =	simm.s32 $0x1BFF;
	s21 =	sshll.u32 s5, $0x1;
	s2 =	sadd.s32 s19, s18  }
0x9c: {  	s6 =	simm.s32 $0x0;
	s20 =	sshll.u32 s4, $0x1;
	s4 =	sadd.s32 s21, s2  }
0x9d: {  	[timem:s6], [sflag:s22] =	dma.local [hbm:s4], s20  }
0x9e: {  	_ =	swait.ge [sflag:s22], s20  }
0x9f: {  	s3 =	ssub.s32 $0x0, s20;
	[sflag:s22] =	ssyncset.done $0x0  }
0xa0: {  	[sflag:s22] =	ssyncadd.s32 s3;
	_ =	sdelay $0x1  }
0xa1: {  	s23 =	simm.s32 $0x1B8B  }
0xa2: {  	_ =	swait.ge [sflag:s23], $0x1  }
0xa3: {  	[sflag:s23] =	ssyncset.done $0x0  }
0xa4: {  	s25 =	simm.s32 $0x1B8E;
	s24 =	sld [smem:$0x3FFE];
	[sflag:s23] =	ssyncadd.s32 $0xFFFFFFFF  }
0xa5: {  	s26 =	simm.s32 $execute0_lowered;
	[smem:$0x3FD2] =	sst s25  }
0xa6: {  	s4 =	sshll.u32 s26, $0x1;
	_ =	strace $0x8000004F;
	[dreg:$0x1] =	wrdreg $0xFFFFFFFF  }
0xa7: {  	s28 =	simm.s32 $_size_execute0_lowered;
	s2 =	sadd.s32 s2, s4;
	[dreg:$0x0] =	wrdreg $0x0  }
0xa8: {  	s4 =	sshll.u32 s28, $0x1;
	[dreg:$0x2] =	wrdreg s2  }
0xa9: {  	[dreg:$0x3] =	wrdreg s4  }
0xaa: {  	[dreg:$0x4] =	wrdreg $0xC0  }
0xab: {  	_ =	task [dreg:s6], $0x5FFFF  }
0xac: {  	[dreg:$0x1] =	wrdreg $0xFFFFFFFF  }
0xad: {  	[dreg:$0x0] =	wrdreg $0x60  }
0xae: {  	[dreg:$0x2] =	wrdreg s24  }
0xaf: {  	[dreg:$0x3] =	wrdreg $0x11000  }
0xb0: {  	[dreg:$0x4] =	wrdreg $0x9  }
0xb1: {  	_ =	task.clear_ibuf [dreg:s6], $0x5FFFF;
	_ =	strace $0x9000004F  }
0xb2: {  	s29 =	simm.s32 $0x9;
	_ =	strace $0x80000051  }
0xb3: {  	_ =	swait.ge [sflag:s29], $0x1  }
0xb4: {  	[sflag:s29] =	ssyncadd.s32 $0xFFFFFFFF  }
0xb5: {  	_ =	strace $0x90000051  }
0xb6: {  	_ =	sfence  }
0xb7: {  	s30 =	sld [smem:$0x0];
	_ =	sdelay $0x2  }
0xb8: {  	s31 =	sshll.u32 s1, $0xD;
	s1 =	sshrl.u32 s1, $0x2  }
0xb9: {  	s3 =	sand.u32 $0x4000, s31;
	s1 =	sadd.s32 s1, s30  }
0xba: {  	s0 =	sor.u32 s3, s0;
	s1 =	sshll.u32 s1, $0x11  }
0xbb: {  	s0 =	sor.u32 s1, s0  }
0xbc: {  	s0 =	sadd.s32 $0x8F2B, s0  }
0xbd: {  	[sflag:s0] =	ssyncadd.remote.s32 $0x1  }
0xbe: {  	_ =	sfence.sel $0xFFFF  }
0xbf: {  	[dreg:$0x0] =	wrdreg $0xFFFFFFFF;
	(pc) =	sbr.abs _section_cstart, $3  }
0xc0: {  	[dreg:$0x1] =	wrdreg $0xFFFFFFFF  }
0xc1: {  	_ =	task.clear_ibuf [dreg:s6], $0x2FFFF;
	_ =	strace $0x9FFFFFFF  }
0xc2: {  	(tm) =	ssettm $0x7FFFFFFF  }
0xc3: {  	_ =	shalt  }
tec
execute0_lowered:
.L_overlay_start_1:
0x0: {  	(tag) =	ssettag $0x1  }
0x1: {  	s5 =	rddreg [dreg:$0x0];
	s0 =	srdreg.scid  }
0x2: {  	s2 =	rddreg [dreg:$0x1];
	s1 =	stileid.u32;
	s3 =	simm.s32 $0x0  }
0x3: {  	s13 =	simm.s32 $0x80;
	s14 =	simm.s32 $0x100;
	s7 =	smul.u32 $0x2780, s1  }
0x4: {  	s6 =	sand.u32 $0x1, s0;
	s0 =	rddreg [dreg:$0x2];
	s8 =	smul.u32 $0x5000, s1  }
0x5: {  	s15 =	simm.s32 $0x0;
	[smem:$0x7FF] =	sst s3;
	s9 =	smul.u32 $0xA00, s1  }
0x6: {  	s31 =	sshll.u32 s1, $0x6;
	s4 =	smul.u32 $0x27800, s6;
	_ =	strace $0x80000050  }
0x7: {  	s10 =	smul.u32 $0xA000, s6;
	s6 =	ssub.s32 $0x2, s6;
	s29 =	sshrl.u32 s8, $0x3  }
0x8: {  	s30 =	sshrl.u32 s6, $0x1;
	s12 =	sadd.s32 s8, s2;
	s7 =	sadd.s32 s7, s4  }
0x9: {  	s4 =	sadd.s32 $0x1F000, s5;
	s9 =	sadd.s32 s9, s10;
	s10 =	ssub.s32 s6, s30  }
0xa: {  	s6 =	sor.u32 $0x1C01, s31;
	s7 =	sshrl.u32 s7, $0x3;
	s9 =	sadd.s32 s9, s5  }
0xb: {  	s8 =	smax.u32 s10, $0x1;
	s11 =	sadd.s32 s7, s5;
	s7 =	sadd.s32 s29, s5  }
0xc: {  	s5 =	sadd.s32 $0x29000, s7;
	s7 =	sadd.s32 $0x33000, s9;
	s9 =	sadd.s32 $0x3A00, s11  }
0xd: {  	s10 =	sadd.s32 $0x15200, s11;
	s11 =	sshrl.u32 s12, $0x3;
	s12 =	simm.s32 $0x1  }
.LBB2_1:
0xe: {  	[spmem:s11], [sflag:s6] =	dma.local [hbm:s5], $0xA00  }
0xf: {  	_ =	swait.ge [sflag:s12], $0xA00  }
0x10: {  	[sflag:s12] =	ssyncset.done $0x0  }
0x11: {  	[sflag:s12] =	ssyncadd.s32 $0xFFFFF600  }
0x12: {  	s16 =	sadd.s32 $0x0, s10;
	[bflag:$0x0] =	sbarrier.arrive $0xFFFF  }
0x13: {  	[tilespmem:s3], [sflag:$0x1] =	stream.linear.gather [hbm4b:s16+s3], $0x80, $0x38;
	[tilespmem:$0x6100] =	vst v63  }
0x14: {  	_ =	swait.ge [sflag:s12], $0x80  }
0x15: {  	[sflag:s12] =	ssyncset.done $0x0  }
0x16: {  	s31 =	sadd.s32 $0x0, s9;
	[sflag:s12] =	ssyncadd.s32 $0xFFFFFF80  }
0x17: {  	[tilespmem:s13], [sflag:$0x1] =	stream.linear.gather [hbm4b:s31+s3], $0x80, $0x38;
	[tilespmem:$0x6100] =	vst v63  }
0x18: {  	_ =	swait.ge [sflag:s12], $0x80  }
0x19: {  	[sflag:s12] =	ssyncset.done $0x0  }
0x1a: {  	[sflag:s12] =	ssyncadd.s32 $0xFFFFFF80  }
0x1b: {  	[tilespmem:s14], [sflag:$0x1] =	stream.indirect.gather [hbm4b:s4+s13], $0x20, s3, s13, $0xb8;
	[tilespmem:$0x6100] =	vst v63  }
0x1c: {  	_ =	swait.ge [sflag:s12], $0x1000  }
0x1d: {  	[sflag:s12] =	ssyncset.done $0x0  }
0x1e: {  	[sflag:s12] =	ssyncadd.s32 $0xFFFFF000  }
0x1f: {  	[spmem:s2] =	stream.indirect.scatter.add.f32 [tilespmem:s14], [sflag:$0x1], $0x20, s13, s13, $0xb8;
	[tilespmem:$0x6100] =	vst v63  }
0x20: {  	_ =	swait.ge [sflag:s12], $0x1000  }
0x21: {  	s17 =	simm.s32 $0x20;
	s16 =	simm.s32 $0x10;
	[sflag:s12] =	ssyncset.done $0x0  }
.LBB2_2:
0x22: {  	s18 =	sadd.s32 s16, s10  }
0x23: {  	[sflag:s12] =	ssyncadd.s32 $0xFFFFF000;
	s19 =	smov.u32 s17;
	s20 =	sadd.s32 $0x10, s17  }
0x24: {  	[tilespmem:s3], [sflag:$0x1] =	stream.linear.gather [hbm4b:s18+s3], $0x80, $0x38;
	[tilespmem:$0x6100] =	vst v63  }
0x25: {  	p0 =	sne.s32 s17, $0x4E0;
	_ =	swait.ge [sflag:s12], $0x80  }
0x26: {  	[sflag:s12] =	ssyncset.done $0x0  }
0x27: {  	s17 =	sadd.s32 s16, s9;
	s16 =	smov.u32 s19;
	[sflag:s12] =	ssyncadd.s32 $0xFFFFFF80  }
0x28: {  	[tilespmem:s13], [sflag:$0x1] =	stream.linear.gather [hbm4b:s17+s3], $0x80, $0x38;
	[tilespmem:$0x6100] =	vst v63  }
0x29: {  	_ =	swait.ge [sflag:s12], $0x80  }
0x2a: {  	[sflag:s12] =	ssyncset.done $0x0  }
0x2b: {  	[sflag:s12] =	ssyncadd.s32 $0xFFFFFF80  }
0x2c: {  	[tilespmem:s14], [sflag:$0x1] =	stream.indirect.gather [hbm4b:s4+s13], $0x20, s3, s13, $0xb8;
	[tilespmem:$0x6100] =	vst v63  }
0x2d: {  	_ =	swait.ge [sflag:s12], $0x1000  }
.Ltmp0:
0x2e: {  	[sflag:s12] =	ssyncset.done $0x0;
	(pc) =	sbr.rel @p0 .LBB2_2-.Ltmp0, $4  }
0x2f: {  	[sflag:s12] =	ssyncadd.s32 $0xFFFFF000  }
0x30: {  	[spmem:s2] =	stream.indirect.scatter.add.f32 [tilespmem:s14], [sflag:$0x1], $0x20, s13, s13, $0xb8;
	[tilespmem:$0x6100] =	vst v63  }
0x31: {  	_ =	swait.ge [sflag:s12], $0x1000  }
0x32: {  	s17 =	smov.u32 s20;
	[sflag:s12] =	ssyncset.done $0x0  }
0x33: {  	s17 =	sadd.s32 s16, s10;
	[sflag:s12] =	ssyncadd.s32 $0xFFFFF000  }
0x34: {  	[tilespmem:s3], [sflag:$0x1] =	stream.linear.gather [hbm4b:s17+s3], $0x80, $0x38;
	[tilespmem:$0x6100] =	vst v63  }
0x35: {  	_ =	swait.ge [sflag:s12], $0x80  }
0x36: {  	[sflag:s12] =	ssyncset.done $0x0  }
0x37: {  	s31 =	sadd.s32 s16, s9;
	[sflag:s12] =	ssyncadd.s32 $0xFFFFFF80  }
0x38: {  	[tilespmem:s13], [sflag:$0x1] =	stream.linear.gather [hbm4b:s31+s3], $0x80, $0x38;
	[tilespmem:$0x6100] =	vst v63  }
0x39: {  	_ =	swait.ge [sflag:s12], $0x80  }
0x3a: {  	[sflag:s12] =	ssyncset.done $0x0  }
0x3b: {  	[sflag:s12] =	ssyncadd.s32 $0xFFFFFF80  }
0x3c: {  	[tilespmem:s14], [sflag:$0x1] =	stream.indirect.gather [hbm4b:s4+s13], $0x20, s3, s13, $0xb8;
	[tilespmem:$0x6100] =	vst v63  }
0x3d: {  	_ =	swait.ge [sflag:s12], $0x1000  }
0x3e: {  	[sflag:s12] =	ssyncset.done $0x0  }
0x3f: {  	[sflag:s12] =	ssyncadd.s32 $0xFFFFF000  }
0x40: {  	[spmem:s2] =	stream.indirect.scatter.add.f32 [tilespmem:s14], [sflag:$0x1], $0x20, s13, s13, $0xb8;
	[tilespmem:$0x6100] =	vst v63  }
0x41: {  	_ =	swait.ge [sflag:s12], $0x1000  }
0x42: {  	s15 =	sadd.s32 $0x1, s15;
	[sflag:s12] =	ssyncset.done $0x0  }
0x43: {  	p0 =	sne.s32 s15, s8;
	[sflag:s12] =	ssyncadd.s32 $0xFFFFF000  }
.Ltmp1:
0x44: {  	[bflag:$0x0] =	sbarrier.arrive $0xFFFF;
	(pc) =	sbr.rel @p0 .LBB2_1-.Ltmp1, $4  }
0x45: {  	[hbm:s7], [sflag:s6] =	dma.local [spmem:s11], $0xA00  }
0x46: {  	_ =	swait.ge [sflag:s12], $0xA00  }
0x47: {  	[sflag:s12] =	ssyncset.done $0x0  }
0x48: {  	[sflag:s12] =	ssyncadd.s32 $0xFFFFF600  }
0x49: {  	_ =	sfence.sel $0x180000  }
0x4a: {  	[bflag:$0x0] =	sbarrier.arrive $0xFFFF  }
0x4b: {  	p0 =	sne.s32 s1, $0x0;
	_ =	strace $0x90000050  }
0x4c: {  	s0 =	sadd.s32 @!p0 $0x100000, s0;
	[bflag:$0x2] =	sbarrier.arrive $0xFFFF  }
0x4d: {  	[sflag:s0] =	ssyncadd.tile.s32 @!p0 $0x1;
	_ =	shalt  }
.Lfunc_end2:
_tile_overlayer_lowered:
.L_overlay_start_2:
0x4e: {  	(tag) =	ssettag $0x2  }
0x4f: {  	s0 =	rddreg [dreg:$0x0];
	s2 =	stileid.u32  }
0x50: {  	s1 =	rddreg [dreg:$0x1];
	p0 =	sne.s32 s2, $0x0  }
0x51: {  	s3 =	rddreg [dreg:$0x2];
	[bflag:$0x3] =	sbarrier.arrive $0xFFFF;
	s2 =	simm.s32 @!p0 $0x1C01  }
0x52: {  	[timem:s3], [sflag:s2] =	dma.local @!p0 [hbm:s0], s1  }
0x53: {  	s0 =	simm.s32 @!p0 $0x1  }
0x54: {  	_ =	swait.ge @!p0 [sflag:s0], s1  }
0x55: {  	s1 =	ssub.s32 @!p0 $0x0, s1;
	[sflag:s0] =	ssyncset.done @!p0 $0x0  }
0x56: {  	[sflag:s0] =	ssyncadd.s32 @!p0 s1  }
0x57: {  	[bflag:$0x3] =	sbarrier.arrive $0xFFFF  }
0x58: {  	_ =	shalt  }

</sc_bundles>
